<compile_context>
chip_gen: v7x
topology: tpu7x:2x2x1
jax: 0.10.2.dev20260603
libtpu: 0.0.44.dev20260713+nightly
codegen_flags: <defaults>
</compile_context>

<pallas_src>
import functools

import jax
import jax.numpy as jnp
from jax import lax
from jax.experimental import pallas as pl
from jax.experimental.pallas import tpu as pltpu
from jax.experimental.pallas import tpu_sc as plsc

B = 4
S = 2048
D = 768
NW = 32
S_PER_W = S // NW
CG = 32
H = S_PER_W // CG
NCHUNK = B * H
NBUF = 3
NAHEAD = 2
VECS = D // 16


def _body(x_hbm, table_hbm, pe_hbm, out_hbm, idx_v, pe_v, rows_v,
          sem_i, sem_p, sems_g, sems_o):
    cid = lax.axis_index("c")
    sid = lax.axis_index("s")
    wid = sid * 2 + cid
    s0 = wid * S_PER_W

    cps_i = [
        pltpu.async_copy(x_hbm.at[b, pl.ds(s0, S_PER_W)], idx_v.at[b], sem_i)
        for b in range(B)
    ]
    cp_p = pltpu.async_copy(pe_hbm.at[pl.ds(s0, S_PER_W)], pe_v, sem_p)
    for cp in cps_i:
        cp.wait()

    def _bh(c):
        if isinstance(c, int):
            return c // H, c % H
        return c // H, lax.rem(c, H)

    def start_gather(c, buf):
        b, h = _bh(c)
        return pltpu.async_copy(
            table_hbm.at[idx_v.at[b, pl.ds(h * CG, CG)]],
            rows_v.at[buf], sems_g[buf])

    def start_scatter(c, buf):
        b, h = _bh(c)
        return pltpu.async_copy(
            rows_v.at[buf], out_hbm.at[b, pl.ds(s0 + h * CG, CG)],
            sems_o[buf])

    def wait_gather(buf):
        pltpu.make_async_copy(
            table_hbm.at[idx_v.at[0, pl.ds(0, CG)]],
            rows_v.at[buf], sems_g[buf]).wait()

    def wait_scatter(buf):
        pltpu.make_async_copy(
            rows_v.at[buf], out_hbm.at[0, pl.ds(0, CG)], sems_o[buf]).wait()

    def add_pe(c, buf):
        _, h = _bh(c)
        pe_base = h * CG

        @plsc.parallel_loop(0, CG, step=1, unroll=1)
        def _add_row(r):
            @plsc.parallel_loop(0, VECS, step=1, unroll=4)
            def _add_vec(v):
                sl = pl.ds(v * 16, 16)
                plsc.addupdate(rows_v.at[buf, r, sl], pe_v[pe_base + r, sl])

    for c in range(NAHEAD):
        start_gather(c, c % NBUF)
    cp_p.wait()

    def do_chunk(c, buf, tail_buf):
        @pl.when(c < NCHUNK)
        def _():
            wait_gather(buf)
            add_pe(c, buf)
            start_scatter(c, buf)

        nxt = c + NAHEAD

        @pl.when((nxt < NCHUNK) & (c >= NBUF - NAHEAD))
        def _():
            wait_scatter(tail_buf)

        @pl.when(nxt < NCHUNK)
        def _():
            start_gather(nxt, tail_buf)

    NSUPER = (NCHUNK + NBUF - 1) // NBUF

    def super_body(k, _):
        c0 = k * NBUF
        for j in range(NBUF):
            do_chunk(c0 + j, j, (j + NAHEAD) % NBUF)
        return ()

    lax.fori_loop(0, NSUPER, super_body, ())

    for c in range(NCHUNK - NBUF, NCHUNK):
        wait_scatter(c % NBUF)


@functools.cache
def _emb():
    mesh = plsc.VectorSubcoreMesh(core_axis_name="c", subcore_axis_name="s")
    return functools.partial(
        pl.kernel,
        mesh=mesh,
        out_type=jax.ShapeDtypeStruct((B, S, D), jnp.float32),
        scratch_types=[
            pltpu.VMEM((B, S_PER_W), jnp.int32),
            pltpu.VMEM((S_PER_W, D), jnp.float32),
            pltpu.VMEM((NBUF, CG, D), jnp.float32),
            pltpu.SemaphoreType.DMA,
            pltpu.SemaphoreType.DMA,
            [pltpu.SemaphoreType.DMA] * NBUF,
            [pltpu.SemaphoreType.DMA] * NBUF,
        ],
    )(_body)


@jax.jit
def kernel(x, table, pe):
    return _emb()(x, table, pe)

# --- scband reference (transcript-rebuilt; emitter-appended) ---
"""Pipeline reference for scband-transformer-embedding-14731737825338 (READ-ONLY COPY).

The authoritative reference and input builder live on the scoring server;
editing this copy changes nothing except your own understanding.
"""

import jax, jax.numpy as jnp
import numpy as np

VOCAB = 100000
D_MODEL = 768
MAX_LEN = 4096
PADDING_IDX = 0


def _make_sinusoidal_pe(max_len, d_model):
    position = np.arange(max_len, dtype=np.float32)[:, None]
    div_term = np.exp(np.arange(0, d_model, 2, dtype=np.float32) * (-np.log(10000.0) / d_model))
    pe = np.zeros((max_len, d_model), dtype=np.float32)
    pe[:, 0::2] = np.sin(position * div_term)
    pe[:, 1::2] = np.cos(position * div_term)
    return jnp.asarray(pe)


def setup_inputs(seed: int = 0) -> dict:
    key = jax.random.key(seed)
    k_idx, k_tab = jax.random.split(key)
    x = jax.random.randint(k_idx, (4, 2048), 0, VOCAB, dtype=jnp.int64 if jax.config.jax_enable_x64 else jnp.int32).astype(jnp.int32)
    table = jax.random.normal(k_tab, (VOCAB, D_MODEL), dtype=jnp.float32)
    table = table.at[PADDING_IDX].set(0.0)  # padding_idx row is zero in nn.Embedding
    pe = _make_sinusoidal_pe(MAX_LEN, D_MODEL)
    return {"x": x, "table": table, "pe": pe}


def reference(x, table, pe):
    # tok_emb(x): gather rows from embedding table
    emb = jnp.take(table, x, axis=0)            # [B, S, d_model]
    seq_len = x.shape[1]
    pe_slice = pe[:seq_len]                      # [S, d_model]
    out = emb + pe_slice[None, :, :]             # broadcast over batch (pe.unsqueeze(0))
    # dropout in eval mode is identity
    return out

if __name__ == "__main__":
    import jax
    _d = setup_inputs()
    print(jax.jit(kernel)(*tuple(_d.values())))

</pallas_src>

<mosaic_0001>
#map = affine_map<(d0, d1) -> (0, 0)>
#map1 = affine_map<(d0, d1) -> (0, 0, 0)>
module attributes {stable_mosaic.version = 14 : i64} {
  func.func @_body(%arg0: i32, %arg1: i32, %arg2: memref<4x2048xi32, #tpu.memory_space<hbm>>, %arg3: memref<100000x768xf32, #tpu.memory_space<hbm>>, %arg4: memref<4096x768xf32, #tpu.memory_space<hbm>>, %arg5: memref<4x2048x768xf32, #tpu.memory_space<hbm>>, %arg6: memref<4x64xi32, #tpu.memory_space<vmem>>, %arg7: memref<64x768xf32, #tpu.memory_space<vmem>>, %arg8: memref<3x32x768xf32, #tpu.memory_space<vmem>>, %arg9: memref<!tpu.dma_semaphore, #tpu.memory_space<semaphore_mem>>, %arg10: memref<!tpu.dma_semaphore, #tpu.memory_space<semaphore_mem>>, %arg11: memref<!tpu.dma_semaphore, #tpu.memory_space<semaphore_mem>>, %arg12: memref<!tpu.dma_semaphore, #tpu.memory_space<semaphore_mem>>, %arg13: memref<!tpu.dma_semaphore, #tpu.memory_space<semaphore_mem>>, %arg14: memref<!tpu.dma_semaphore, #tpu.memory_space<semaphore_mem>>, %arg15: memref<!tpu.dma_semaphore, #tpu.memory_space<semaphore_mem>>, %arg16: memref<!tpu.dma_semaphore, #tpu.memory_space<semaphore_mem>>) attributes {dimension_semantics = [#tpu.dimension_semantics<core_parallel>, #tpu.dimension_semantics<subcore_parallel>], iteration_bounds = array<i64: 2, 16>, scalar_prefetch = 0 : i64, scratch_operands = 11 : i64, tpu.core_type = #tpu.core_type<sc_vector_subcore>, window_params = [{transform_indices = #map}, {transform_indices = #map}, {transform_indices = #map}, {transform_indices = #map1}]} {
    %mul3A = arith.constant 2 : i32
    %mul3A_0 = arith.muli %arg1, %mul3A : i32
    %add3A = arith.addi %mul3A_0, %arg0 : i32
    %mul3A_1 = arith.constant 64 : i32
    %mul3A_2 = arith.muli %add3A, %mul3A_1 : i32
    %dma_start3A = arith.constant 0 : i32
    %dma_start3A_3 = arith.constant 0 : i32
    %dma_start3A_4 = arith.constant 0 : i32
    %dma_start3A_5 = tpu.memref_slice %arg6[%dma_start3A_3, %dma_start3A_4] : memref<4x64xi32, #tpu.memory_space<vmem>> -> memref<1x64xi32, #tpu.memory_space<vmem>>
    %dma_start3A_6 = tpu.memref_squeeze %dma_start3A_5 : memref<1x64xi32, #tpu.memory_space<vmem>> -> memref<64xi32, #tpu.memory_space<vmem>>
    %dma_start3A_7 = tpu.memref_slice %arg2[%dma_start3A, %mul3A_2] : memref<4x2048xi32, #tpu.memory_space<hbm>> -> memref<1x64xi32, #tpu.memory_space<hbm>>
    %dma_start3A_8 = tpu.memref_squeeze %dma_start3A_7 : memref<1x64xi32, #tpu.memory_space<hbm>> -> memref<64xi32, #tpu.memory_space<hbm>>
    %dma_start3A_9 = arith.constant 0 : i32
    %dma_start3A_10 = tpu.memref_slice %arg6[%dma_start3A_3, %dma_start3A_9] : memref<4x64xi32, #tpu.memory_space<vmem>> -> memref<1x64xi32, #tpu.memory_space<vmem>>
    %dma_start3A_11 = tpu.memref_squeeze %dma_start3A_10 : memref<1x64xi32, #tpu.memory_space<vmem>> -> memref<64xi32, #tpu.memory_space<vmem>>
    %dma_start3A_12 = tpu.memref_slice %arg2[%dma_start3A, %mul3A_2] : memref<4x2048xi32, #tpu.memory_space<hbm>> -> memref<1x64xi32, #tpu.memory_space<hbm>>
    %dma_start3A_13 = tpu.memref_squeeze %dma_start3A_12 : memref<1x64xi32, #tpu.memory_space<hbm>> -> memref<64xi32, #tpu.memory_space<hbm>>
    tpu.enqueue_dma source(%dma_start3A_13 : memref<64xi32, #tpu.memory_space<hbm>>) target(%dma_start3A_11 : memref<64xi32, #tpu.memory_space<vmem>>) target_semaphore(%arg9 : memref<!tpu.dma_semaphore, #tpu.memory_space<semaphore_mem>>)
    %dma_start3A_14 = arith.constant 1 : i32
    %dma_start3A_15 = arith.constant 1 : i32
    %dma_start3A_16 = arith.constant 0 : i32
    %dma_start3A_17 = tpu.memref_slice %arg6[%dma_start3A_15, %dma_start3A_16] : memref<4x64xi32, #tpu.memory_space<vmem>> -> memref<1x64xi32, #tpu.memory_space<vmem>>
    %dma_start3A_18 = tpu.memref_squeeze %dma_start3A_17 : memref<1x64xi32, #tpu.memory_space<vmem>> -> memref<64xi32, #tpu.memory_space<vmem>>
    %dma_start3A_19 = tpu.memref_slice %arg2[%dma_start3A_14, %mul3A_2] : memref<4x2048xi32, #tpu.memory_space<hbm>> -> memref<1x64xi32, #tpu.memory_space<hbm>>
    %dma_start3A_20 = tpu.memref_squeeze %dma_start3A_19 : memref<1x64xi32, #tpu.memory_space<hbm>> -> memref<64xi32, #tpu.memory_space<hbm>>
    %dma_start3A_21 = arith.constant 0 : i32
    %dma_start3A_22 = tpu.memref_slice %arg6[%dma_start3A_15, %dma_start3A_21] : memref<4x64xi32, #tpu.memory_space<vmem>> -> memref<1x64xi32, #tpu.memory_space<vmem>>
    %dma_start3A_23 = tpu.memref_squeeze %dma_start3A_22 : memref<1x64xi32, #tpu.memory_space<vmem>> -> memref<64xi32, #tpu.memory_space<vmem>>
    %dma_start3A_24 = tpu.memref_slice %arg2[%dma_start3A_14, %mul3A_2] : memref<4x2048xi32, #tpu.memory_space<hbm>> -> memref<1x64xi32, #tpu.memory_space<hbm>>
    %dma_start3A_25 = tpu.memref_squeeze %dma_start3A_24 : memref<1x64xi32, #tpu.memory_space<hbm>> -> memref<64xi32, #tpu.memory_space<hbm>>
    tpu.enqueue_dma source(%dma_start3A_25 : memref<64xi32, #tpu.memory_space<hbm>>) target(%dma_start3A_23 : memref<64xi32, #tpu.memory_space<vmem>>) target_semaphore(%arg9 : memref<!tpu.dma_semaphore, #tpu.memory_space<semaphore_mem>>)
    %dma_start3A_26 = arith.constant 2 : i32
    %dma_start3A_27 = arith.constant 2 : i32
    %dma_start3A_28 = arith.constant 0 : i32
    %dma_start3A_29 = tpu.memref_slice %arg6[%dma_start3A_27, %dma_start3A_28] : memref<4x64xi32, #tpu.memory_space<vmem>> -> memref<1x64xi32, #tpu.memory_space<vmem>>
    %dma_start3A_30 = tpu.memref_squeeze %dma_start3A_29 : memref<1x64xi32, #tpu.memory_space<vmem>> -> memref<64xi32, #tpu.memory_space<vmem>>
    %dma_start3A_31 = tpu.memref_slice %arg2[%dma_start3A_26, %mul3A_2] : memref<4x2048xi32, #tpu.memory_space<hbm>> -> memref<1x64xi32, #tpu.memory_space<hbm>>
    %dma_start3A_32 = tpu.memref_squeeze %dma_start3A_31 : memref<1x64xi32, #tpu.memory_space<hbm>> -> memref<64xi32, #tpu.memory_space<hbm>>
    %dma_start3A_33 = arith.constant 0 : i32
    %dma_start3A_34 = tpu.memref_slice %arg6[%dma_start3A_27, %dma_start3A_33] : memref<4x64xi32, #tpu.memory_space<vmem>> -> memref<1x64xi32, #tpu.memory_space<vmem>>
    %dma_start3A_35 = tpu.memref_squeeze %dma_start3A_34 : memref<1x64xi32, #tpu.memory_space<vmem>> -> memref<64xi32, #tpu.memory_space<vmem>>
    %dma_start3A_36 = tpu.memref_slice %arg2[%dma_start3A_26, %mul3A_2] : memref<4x2048xi32, #tpu.memory_space<hbm>> -> memref<1x64xi32, #tpu.memory_space<hbm>>
    %dma_start3A_37 = tpu.memref_squeeze %dma_start3A_36 : memref<1x64xi32, #tpu.memory_space<hbm>> -> memref<64xi32, #tpu.memory_space<hbm>>
    tpu.enqueue_dma source(%dma_start3A_37 : memref<64xi32, #tpu.memory_space<hbm>>) target(%dma_start3A_35 : memref<64xi32, #tpu.memory_space<vmem>>) target_semaphore(%arg9 : memref<!tpu.dma_semaphore, #tpu.memory_space<semaphore_mem>>)
    %dma_start3A_38 = arith.constant 3 : i32
    %dma_start3A_39 = arith.constant 3 : i32
    %dma_start3A_40 = arith.constant 0 : i32
    %dma_start3A_41 = tpu.memref_slice %arg6[%dma_start3A_39, %dma_start3A_40] : memref<4x64xi32, #tpu.memory_space<vmem>> -> memref<1x64xi32, #tpu.memory_space<vmem>>
    %dma_start3A_42 = tpu.memref_squeeze %dma_start3A_41 : memref<1x64xi32, #tpu.memory_space<vmem>> -> memref<64xi32, #tpu.memory_space<vmem>>
    %dma_start3A_43 = tpu.memref_slice %arg2[%dma_start3A_38, %mul3A_2] : memref<4x2048xi32, #tpu.memory_space<hbm>> -> memref<1x64xi32, #tpu.memory_space<hbm>>
    %dma_start3A_44 = tpu.memref_squeeze %dma_start3A_43 : memref<1x64xi32, #tpu.memory_space<hbm>> -> memref<64xi32, #tpu.memory_space<hbm>>
    %dma_start3A_45 = arith.constant 0 : i32
    %dma_start3A_46 = tpu.memref_slice %arg6[%dma_start3A_39, %dma_start3A_45] : memref<4x64xi32, #tpu.memory_space<vmem>> -> memref<1x64xi32, #tpu.memory_space<vmem>>
    %dma_start3A_47 = tpu.memref_squeeze %dma_start3A_46 : memref<1x64xi32, #tpu.memory_space<vmem>> -> memref<64xi32, #tpu.memory_space<vmem>>
    %dma_start3A_48 = tpu.memref_slice %arg2[%dma_start3A_38, %mul3A_2] : memref<4x2048xi32, #tpu.memory_space<hbm>> -> memref<1x64xi32, #tpu.memory_space<hbm>>
    %dma_start3A_49 = tpu.memref_squeeze %dma_start3A_48 : memref<1x64xi32, #tpu.memory_space<hbm>> -> memref<64xi32, #tpu.memory_space<hbm>>
    tpu.enqueue_dma source(%dma_start3A_49 : memref<64xi32, #tpu.memory_space<hbm>>) target(%dma_start3A_47 : memref<64xi32, #tpu.memory_space<vmem>>) target_semaphore(%arg9 : memref<!tpu.dma_semaphore, #tpu.memory_space<semaphore_mem>>)
    %dma_start3A_50 = arith.constant 0 : i32
    %dma_start3A_51 = tpu.memref_slice %arg4[%mul3A_2, %dma_start3A_50] : memref<4096x768xf32, #tpu.memory_space<hbm>> -> memref<64x768xf32, #tpu.memory_space<hbm>>
    %dma_start3A_52 = arith.constant 0 : i32
    %dma_start3A_53 = tpu.memref_slice %arg4[%mul3A_2, %dma_start3A_52] : memref<4096x768xf32, #tpu.memory_space<hbm>> -> memref<64x768xf32, #tpu.memory_space<hbm>>
    tpu.enqueue_dma source(%dma_start3A_53 : memref<64x768xf32, #tpu.memory_space<hbm>>) target(%arg7 : memref<64x768xf32, #tpu.memory_space<vmem>>) target_semaphore(%arg10 : memref<!tpu.dma_semaphore, #tpu.memory_space<semaphore_mem>>)
    %dma_wait3A = arith.constant 0 : i32
    %dma_wait3A_54 = arith.constant 0 : i32
    %dma_wait3A_55 = arith.constant 0 : i32
    %dma_wait3A_56 = tpu.memref_slice %arg6[%dma_wait3A_54, %dma_wait3A_55] : memref<4x64xi32, #tpu.memory_space<vmem>> -> memref<1x64xi32, #tpu.memory_space<vmem>>
    %dma_wait3A_57 = tpu.memref_squeeze %dma_wait3A_56 : memref<1x64xi32, #tpu.memory_space<vmem>> -> memref<64xi32, #tpu.memory_space<vmem>>
    %dma_wait3A_58 = tpu.memref_slice %arg2[%dma_wait3A, %mul3A_2] : memref<4x2048xi32, #tpu.memory_space<hbm>> -> memref<1x64xi32, #tpu.memory_space<hbm>>
    %dma_wait3A_59 = tpu.memref_squeeze %dma_wait3A_58 : memref<1x64xi32, #tpu.memory_space<hbm>> -> memref<64xi32, #tpu.memory_space<hbm>>
    %dma_wait3A_60 = arith.constant 0 : i32
    %dma_wait3A_61 = tpu.memref_slice %arg6[%dma_wait3A_54, %dma_wait3A_60] : memref<4x64xi32, #tpu.memory_space<vmem>> -> memref<1x64xi32, #tpu.memory_space<vmem>>
    %dma_wait3A_62 = tpu.memref_squeeze %dma_wait3A_61 : memref<1x64xi32, #tpu.memory_space<vmem>> -> memref<64xi32, #tpu.memory_space<vmem>>
    %dma_wait3A_63 = tpu.memref_slice %arg2[%dma_wait3A, %mul3A_2] : memref<4x2048xi32, #tpu.memory_space<hbm>> -> memref<1x64xi32, #tpu.memory_space<hbm>>
    %dma_wait3A_64 = tpu.memref_squeeze %dma_wait3A_63 : memref<1x64xi32, #tpu.memory_space<hbm>> -> memref<64xi32, #tpu.memory_space<hbm>>
    tpu.wait_dma2 semaphore(%arg9 : memref<!tpu.dma_semaphore, #tpu.memory_space<semaphore_mem>>) src(%dma_wait3A_64 : memref<64xi32, #tpu.memory_space<hbm>>) dst(%dma_wait3A_62 : memref<64xi32, #tpu.memory_space<vmem>>)
    %dma_wait3A_65 = arith.constant 1 : i32
    %dma_wait3A_66 = arith.constant 1 : i32
    %dma_wait3A_67 = arith.constant 0 : i32
    %dma_wait3A_68 = tpu.memref_slice %arg6[%dma_wait3A_66, %dma_wait3A_67] : memref<4x64xi32, #tpu.memory_space<vmem>> -> memref<1x64xi32, #tpu.memory_space<vmem>>
    %dma_wait3A_69 = tpu.memref_squeeze %dma_wait3A_68 : memref<1x64xi32, #tpu.memory_space<vmem>> -> memref<64xi32, #tpu.memory_space<vmem>>
    %dma_wait3A_70 = tpu.memref_slice %arg2[%dma_wait3A_65, %mul3A_2] : memref<4x2048xi32, #tpu.memory_space<hbm>> -> memref<1x64xi32, #tpu.memory_space<hbm>>
    %dma_wait3A_71 = tpu.memref_squeeze %dma_wait3A_70 : memref<1x64xi32, #tpu.memory_space<hbm>> -> memref<64xi32, #tpu.memory_space<hbm>>
    %dma_wait3A_72 = arith.constant 0 : i32
    %dma_wait3A_73 = tpu.memref_slice %arg6[%dma_wait3A_66, %dma_wait3A_72] : memref<4x64xi32, #tpu.memory_space<vmem>> -> memref<1x64xi32, #tpu.memory_space<vmem>>
    %dma_wait3A_74 = tpu.memref_squeeze %dma_wait3A_73 : memref<1x64xi32, #tpu.memory_space<vmem>> -> memref<64xi32, #tpu.memory_space<vmem>>
    %dma_wait3A_75 = tpu.memref_slice %arg2[%dma_wait3A_65, %mul3A_2] : memref<4x2048xi32, #tpu.memory_space<hbm>> -> memref<1x64xi32, #tpu.memory_space<hbm>>
    %dma_wait3A_76 = tpu.memref_squeeze %dma_wait3A_75 : memref<1x64xi32, #tpu.memory_space<hbm>> -> memref<64xi32, #tpu.memory_space<hbm>>
    tpu.wait_dma2 semaphore(%arg9 : memref<!tpu.dma_semaphore, #tpu.memory_space<semaphore_mem>>) src(%dma_wait3A_76 : memref<64xi32, #tpu.memory_space<hbm>>) dst(%dma_wait3A_74 : memref<64xi32, #tpu.memory_space<vmem>>)
    %dma_wait3A_77 = arith.constant 2 : i32
    %dma_wait3A_78 = arith.constant 2 : i32
    %dma_wait3A_79 = arith.constant 0 : i32
    %dma_wait3A_80 = tpu.memref_slice %arg6[%dma_wait3A_78, %dma_wait3A_79] : memref<4x64xi32, #tpu.memory_space<vmem>> -> memref<1x64xi32, #tpu.memory_space<vmem>>
    %dma_wait3A_81 = tpu.memref_squeeze %dma_wait3A_80 : memref<1x64xi32, #tpu.memory_space<vmem>> -> memref<64xi32, #tpu.memory_space<vmem>>
    %dma_wait3A_82 = tpu.memref_slice %arg2[%dma_wait3A_77, %mul3A_2] : memref<4x2048xi32, #tpu.memory_space<hbm>> -> memref<1x64xi32, #tpu.memory_space<hbm>>
    %dma_wait3A_83 = tpu.memref_squeeze %dma_wait3A_82 : memref<1x64xi32, #tpu.memory_space<hbm>> -> memref<64xi32, #tpu.memory_space<hbm>>
    %dma_wait3A_84 = arith.constant 0 : i32
    %dma_wait3A_85 = tpu.memref_slice %arg6[%dma_wait3A_78, %dma_wait3A_84] : memref<4x64xi32, #tpu.memory_space<vmem>> -> memref<1x64xi32, #tpu.memory_space<vmem>>
    %dma_wait3A_86 = tpu.memref_squeeze %dma_wait3A_85 : memref<1x64xi32, #tpu.memory_space<vmem>> -> memref<64xi32, #tpu.memory_space<vmem>>
    %dma_wait3A_87 = tpu.memref_slice %arg2[%dma_wait3A_77, %mul3A_2] : memref<4x2048xi32, #tpu.memory_space<hbm>> -> memref<1x64xi32, #tpu.memory_space<hbm>>
    %dma_wait3A_88 = tpu.memref_squeeze %dma_wait3A_87 : memref<1x64xi32, #tpu.memory_space<hbm>> -> memref<64xi32, #tpu.memory_space<hbm>>
    tpu.wait_dma2 semaphore(%arg9 : memref<!tpu.dma_semaphore, #tpu.memory_space<semaphore_mem>>) src(%dma_wait3A_88 : memref<64xi32, #tpu.memory_space<hbm>>) dst(%dma_wait3A_86 : memref<64xi32, #tpu.memory_space<vmem>>)
    %dma_wait3A_89 = arith.constant 3 : i32
    %dma_wait3A_90 = arith.constant 3 : i32
    %dma_wait3A_91 = arith.constant 0 : i32
    %dma_wait3A_92 = tpu.memref_slice %arg6[%dma_wait3A_90, %dma_wait3A_91] : memref<4x64xi32, #tpu.memory_space<vmem>> -> memref<1x64xi32, #tpu.memory_space<vmem>>
    %dma_wait3A_93 = tpu.memref_squeeze %dma_wait3A_92 : memref<1x64xi32, #tpu.memory_space<vmem>> -> memref<64xi32, #tpu.memory_space<vmem>>
    %dma_wait3A_94 = tpu.memref_slice %arg2[%dma_wait3A_89, %mul3A_2] : memref<4x2048xi32, #tpu.memory_space<hbm>> -> memref<1x64xi32, #tpu.memory_space<hbm>>
    %dma_wait3A_95 = tpu.memref_squeeze %dma_wait3A_94 : memref<1x64xi32, #tpu.memory_space<hbm>> -> memref<64xi32, #tpu.memory_space<hbm>>
    %dma_wait3A_96 = arith.constant 0 : i32
    %dma_wait3A_97 = tpu.memref_slice %arg6[%dma_wait3A_90, %dma_wait3A_96] : memref<4x64xi32, #tpu.memory_space<vmem>> -> memref<1x64xi32, #tpu.memory_space<vmem>>
    %dma_wait3A_98 = tpu.memref_squeeze %dma_wait3A_97 : memref<1x64xi32, #tpu.memory_space<vmem>> -> memref<64xi32, #tpu.memory_space<vmem>>
    %dma_wait3A_99 = tpu.memref_slice %arg2[%dma_wait3A_89, %mul3A_2] : memref<4x2048xi32, #tpu.memory_space<hbm>> -> memref<1x64xi32, #tpu.memory_space<hbm>>
    %dma_wait3A_100 = tpu.memref_squeeze %dma_wait3A_99 : memref<1x64xi32, #tpu.memory_space<hbm>> -> memref<64xi32, #tpu.memory_space<hbm>>
    tpu.wait_dma2 semaphore(%arg9 : memref<!tpu.dma_semaphore, #tpu.memory_space<semaphore_mem>>) src(%dma_wait3A_100 : memref<64xi32, #tpu.memory_space<hbm>>) dst(%dma_wait3A_98 : memref<64xi32, #tpu.memory_space<vmem>>)
    %dma_start3A_101 = arith.constant 0 : i32
    %dma_start3A_102 = arith.constant 0 : i32
    %dma_start3A_103 = arith.constant 0 : i32
    %dma_start3A_104 = arith.constant 0 : i32
    %dma_start3A_105 = tpu.memref_slice %arg8[%dma_start3A_102, %dma_start3A_103, %dma_start3A_104] : memref<3x32x768xf32, #tpu.memory_space<vmem>> -> memref<1x32x768xf32, #tpu.memory_space<vmem>>
    %dma_start3A_106 = tpu.memref_squeeze %dma_start3A_105 : memref<1x32x768xf32, #tpu.memory_space<vmem>> -> memref<32x768xf32, #tpu.memory_space<vmem>>
    %dma_start3A_107 = arith.constant 0 : i32
    %dma_start3A_108 = tpu.memref_slice %arg6[%dma_start3A_101, %dma_start3A_107] : memref<4x64xi32, #tpu.memory_space<vmem>> -> memref<1x32xi32, #tpu.memory_space<vmem>>
    %dma_start3A_109 = tpu.memref_squeeze %dma_start3A_108 : memref<1x32xi32, #tpu.memory_space<vmem>> -> memref<32xi32, #tpu.memory_space<vmem>>
    %dma_start3A_110 = arith.constant 0 : i32
    %dma_start3A_111 = arith.constant 0 : i32
    %dma_start3A_112 = tpu.memref_slice %arg3[%dma_start3A_110, %dma_start3A_111] : memref<100000x768xf32, #tpu.memory_space<hbm>> -> memref<100000x768xf32, #tpu.memory_space<hbm>>
    tpu.enqueue_indirect_dma source(%dma_start3A_112 : memref<100000x768xf32, #tpu.memory_space<hbm>>) target(%dma_start3A_106 : memref<32x768xf32, #tpu.memory_space<vmem>>) offsets(%dma_start3A_109 : memref<32xi32, #tpu.memory_space<vmem>>) semaphore(%arg11 : memref<!tpu.dma_semaphore, #tpu.memory_space<semaphore_mem>>)
    %dma_start3A_113 = arith.constant 0 : i32
    %dma_start3A_114 = arith.constant 1 : i32
    %dma_start3A_115 = arith.constant 0 : i32
    %dma_start3A_116 = arith.constant 0 : i32
    %dma_start3A_117 = tpu.memref_slice %arg8[%dma_start3A_114, %dma_start3A_115, %dma_start3A_116] : memref<3x32x768xf32, #tpu.memory_space<vmem>> -> memref<1x32x768xf32, #tpu.memory_space<vmem>>
    %dma_start3A_118 = tpu.memref_squeeze %dma_start3A_117 : memref<1x32x768xf32, #tpu.memory_space<vmem>> -> memref<32x768xf32, #tpu.memory_space<vmem>>
    %dma_start3A_119 = arith.constant 32 : i32
    %dma_start3A_120 = tpu.memref_slice %arg6[%dma_start3A_113, %dma_start3A_119] : memref<4x64xi32, #tpu.memory_space<vmem>> -> memref<1x32xi32, #tpu.memory_space<vmem>>
    %dma_start3A_121 = tpu.memref_squeeze %dma_start3A_120 : memref<1x32xi32, #tpu.memory_space<vmem>> -> memref<32xi32, #tpu.memory_space<vmem>>
    %dma_start3A_122 = arith.constant 0 : i32
    %dma_start3A_123 = arith.constant 0 : i32
    %dma_start3A_124 = tpu.memref_slice %arg3[%dma_start3A_122, %dma_start3A_123] : memref<100000x768xf32, #tpu.memory_space<hbm>> -> memref<100000x768xf32, #tpu.memory_space<hbm>>
    tpu.enqueue_indirect_dma source(%dma_start3A_124 : memref<100000x768xf32, #tpu.memory_space<hbm>>) target(%dma_start3A_118 : memref<32x768xf32, #tpu.memory_space<vmem>>) offsets(%dma_start3A_121 : memref<32xi32, #tpu.memory_space<vmem>>) semaphore(%arg12 : memref<!tpu.dma_semaphore, #tpu.memory_space<semaphore_mem>>)
    %dma_wait3A_125 = arith.constant 0 : i32
    %dma_wait3A_126 = tpu.memref_slice %arg4[%mul3A_2, %dma_wait3A_125] : memref<4096x768xf32, #tpu.memory_space<hbm>> -> memref<64x768xf32, #tpu.memory_space<hbm>>
    %dma_wait3A_127 = arith.constant 0 : i32
    %dma_wait3A_128 = tpu.memref_slice %arg4[%mul3A_2, %dma_wait3A_127] : memref<4096x768xf32, #tpu.memory_space<hbm>> -> memref<64x768xf32, #tpu.memory_space<hbm>>
    tpu.wait_dma2 semaphore(%arg10 : memref<!tpu.dma_semaphore, #tpu.memory_space<semaphore_mem>>) src(%dma_wait3A_128 : memref<64x768xf32, #tpu.memory_space<hbm>>) dst(%arg7 : memref<64x768xf32, #tpu.memory_space<vmem>>)
    %scan3A = arith.constant 0 : i32
    %scan3A_129 = arith.constant 3 : i32
    %scan3A_130 = arith.addi %scan3A, %scan3A_129 : i32
    %scan3A_131 = arith.constant 1 : i32
    scf.for %scan3A_187 = %scan3A to %scan3A_130 step %scan3A_131  : i32 {
      %mul3A_188 = arith.constant 3 : i32
      %mul3A_189 = arith.muli %scan3A_187, %mul3A_188 : i32
      %add3A_190 = arith.constant 0 : i32
      %add3A_191 = arith.addi %mul3A_189, %add3A_190 : i32
      %lt3A = arith.constant 8 : i32
      %lt3A_192 = arith.cmpi slt, %add3A_191, %lt3A : i32
      %convert_element_type3A = arith.extui %lt3A_192 : i1 to i32
      %cond3A = arith.constant 0 : i32
      %cond3A_193 = arith.cmpi ne, %convert_element_type3A, %cond3A : i32
      scf.if %cond3A_193 {
        %dma_wait3A_251 = arith.constant 0 : i32
        %dma_wait3A_252 = arith.constant 0 : i32
        %dma_wait3A_253 = arith.constant 0 : i32
        %dma_wait3A_254 = arith.constant 0 : i32
        %dma_wait3A_255 = tpu.memref_slice %arg8[%dma_wait3A_252, %dma_wait3A_253, %dma_wait3A_254] : memref<3x32x768xf32, #tpu.memory_space<vmem>> -> memref<1x32x768xf32, #tpu.memory_space<vmem>>
        %dma_wait3A_256 = tpu.memref_squeeze %dma_wait3A_255 : memref<1x32x768xf32, #tpu.memory_space<vmem>> -> memref<32x768xf32, #tpu.memory_space<vmem>>
        %dma_wait3A_257 = arith.constant 0 : i32
        %dma_wait3A_258 = tpu.memref_slice %arg6[%dma_wait3A_251, %dma_wait3A_257] : memref<4x64xi32, #tpu.memory_space<vmem>> -> memref<1x32xi32, #tpu.memory_space<vmem>>
        %dma_wait3A_259 = tpu.memref_squeeze %dma_wait3A_258 : memref<1x32xi32, #tpu.memory_space<vmem>> -> memref<32xi32, #tpu.memory_space<vmem>>
        %dma_wait3A_260 = arith.constant 0 : i32
        %dma_wait3A_261 = arith.constant 0 : i32
        %dma_wait3A_262 = tpu.memref_slice %arg3[%dma_wait3A_260, %dma_wait3A_261] : memref<100000x768xf32, #tpu.memory_space<hbm>> -> memref<100000x768xf32, #tpu.memory_space<hbm>>
        tpu.wait_indirect_dma semaphore(%arg11 : memref<!tpu.dma_semaphore, #tpu.memory_space<semaphore_mem>>) src(%dma_wait3A_262 : memref<100000x768xf32, #tpu.memory_space<hbm>>) dst(%dma_wait3A_256 : memref<32x768xf32, #tpu.memory_space<vmem>>)
        %jit3A = arith.constant 2 : i32
        %div3A = arith.divsi %add3A_191, %jit3A : i32
        %sign3A = arith.constant 0 : i32
        %sign3A_263 = arith.cmpi sgt, %add3A_191, %sign3A : i32
        %sign3A_264 = arith.extui %sign3A_263 : i1 to i32
        %sign3A_265 = arith.constant 0 : i32
        %sign3A_266 = arith.cmpi slt, %add3A_191, %sign3A_265 : i32
        %sign3A_267 = arith.extui %sign3A_266 : i1 to i32
        %sign3A_268 = arith.subi %sign3A_264, %sign3A_267 : i32
        %sign3A_269 = arith.constant 0 : i32
        %sign3A_270 = arith.cmpi sgt, %jit3A, %sign3A_269 : i32
        %sign3A_271 = arith.extui %sign3A_270 : i1 to i32
        %sign3A_272 = arith.constant 0 : i32
        %sign3A_273 = arith.cmpi slt, %jit3A, %sign3A_272 : i32
        %sign3A_274 = arith.extui %sign3A_273 : i1 to i32
        %sign3A_275 = arith.subi %sign3A_271, %sign3A_274 : i32
        %ne3A = arith.cmpi ne, %sign3A_268, %sign3A_275 : i32
        %rem3A = arith.remsi %add3A_191, %jit3A : i32
        %ne3A_276 = arith.constant 0 : i32
        %ne3A_277 = arith.cmpi ne, %rem3A, %ne3A_276 : i32
        %and3A_278 = arith.andi %ne3A, %ne3A_277 : i1
        %sub3A = arith.constant 1 : i32
        %sub3A_279 = arith.subi %div3A, %sub3A : i32
        %select_n3A = arith.select %and3A_278, %sub3A_279, %div3A : i32
        %rem3A_280 = arith.constant 2 : i32
        %rem3A_281 = arith.remsi %add3A_191, %rem3A_280 : i32
        %mul3A_282 = arith.constant 32 : i32
        %mul3A_283 = arith.muli %rem3A_281, %mul3A_282 : i32
        %parallel_loop3A = arith.constant 0 : i32
        %parallel_loop3A_284 = arith.constant 32 : i32
        %parallel_loop3A_285 = arith.constant 1 : i32
        scf.for %parallel_loop3A_330 = %parallel_loop3A to %parallel_loop3A_284 step %parallel_loop3A_285  : i32 {
          %parallel_loop3A_331 = arith.constant 0 : i32
          %parallel_loop3A_332 = arith.constant 48 : i32
          %parallel_loop3A_333 = arith.constant 1 : i32
          scf.for %parallel_loop3A_334 = %parallel_loop3A_331 to %parallel_loop3A_332 step %parallel_loop3A_333  : i32 {
            %parallel_loop3A_335 = arith.constant 16 : i32
            %parallel_loop3A_336 = arith.muli %parallel_loop3A_334, %parallel_loop3A_335 : i32
            %parallel_loop3A_337 = arith.addi %mul3A_283, %parallel_loop3A_330 : i32
            %parallel_loop3A_338 = arith.index_cast %parallel_loop3A_337 : i32 to index
            %parallel_loop3A_339 = arith.index_cast %parallel_loop3A_336 : i32 to index
            %parallel_loop3A_340 = tpu.vector_load %arg7[%parallel_loop3A_338, %parallel_loop3A_339] {strides = array<i32>} : memref<64x768xf32, #tpu.memory_space<vmem>>, vector<1x16xf32>,
            %parallel_loop3A_341 = vector.shape_cast %parallel_loop3A_340 : vector<1x16xf32> to vector<16xf32>
            %parallel_loop3A_342 = arith.constant 0 : i32
            %parallel_loop3A_343 = arith.index_cast %parallel_loop3A_342 : i32 to index
            %parallel_loop3A_344 = arith.index_cast %parallel_loop3A_330 : i32 to index
            %parallel_loop3A_345 = arith.index_cast %parallel_loop3A_336 : i32 to index
            %parallel_loop3A_346 = tpu.vector_load %arg8[%parallel_loop3A_343, %parallel_loop3A_344, %parallel_loop3A_345] {strides = array<i32>} : memref<3x32x768xf32, #tpu.memory_space<vmem>>, vector<1x1x16xf32>,
            %parallel_loop3A_347 = vector.shape_cast %parallel_loop3A_346 : vector<1x1x16xf32> to vector<16xf32>
            %parallel_loop3A_348 = vector.shape_cast %parallel_loop3A_341 : vector<16xf32> to vector<1x1x16xf32>
            tpu.vector_store %arg8[%parallel_loop3A_343, %parallel_loop3A_344, %parallel_loop3A_345], %parallel_loop3A_348 {add = true, strides = array<i32>} : memref<3x32x768xf32, #tpu.memory_space<vmem>>, vector<1x1x16xf32>,
          } {sc.loop_unroll_factor = 4 : i64, sc.parallel_access}
        } {sc.loop_unroll_factor = 1 : i64, sc.parallel_access}
        %jit3A_286 = arith.constant 2 : i32
        %div3A_287 = arith.divsi %add3A_191, %jit3A_286 : i32
        %sign3A_288 = arith.constant 0 : i32
        %sign3A_289 = arith.cmpi sgt, %add3A_191, %sign3A_288 : i32
        %sign3A_290 = arith.extui %sign3A_289 : i1 to i32
        %sign3A_291 = arith.constant 0 : i32
        %sign3A_292 = arith.cmpi slt, %add3A_191, %sign3A_291 : i32
        %sign3A_293 = arith.extui %sign3A_292 : i1 to i32
        %sign3A_294 = arith.subi %sign3A_290, %sign3A_293 : i32
        %sign3A_295 = arith.constant 0 : i32
        %sign3A_296 = arith.cmpi sgt, %jit3A_286, %sign3A_295 : i32
        %sign3A_297 = arith.extui %sign3A_296 : i1 to i32
        %sign3A_298 = arith.constant 0 : i32
        %sign3A_299 = arith.cmpi slt, %jit3A_286, %sign3A_298 : i32
        %sign3A_300 = arith.extui %sign3A_299 : i1 to i32
        %sign3A_301 = arith.subi %sign3A_297, %sign3A_300 : i32
        %ne3A_302 = arith.cmpi ne, %sign3A_294, %sign3A_301 : i32
        %rem3A_303 = arith.remsi %add3A_191, %jit3A_286 : i32
        %ne3A_304 = arith.constant 0 : i32
        %ne3A_305 = arith.cmpi ne, %rem3A_303, %ne3A_304 : i32
        %and3A_306 = arith.andi %ne3A_302, %ne3A_305 : i1
        %sub3A_307 = arith.constant 1 : i32
        %sub3A_308 = arith.subi %div3A_287, %sub3A_307 : i32
        %select_n3A_309 = arith.select %and3A_306, %sub3A_308, %div3A_287 : i32
        %rem3A_310 = arith.constant 2 : i32
        %rem3A_311 = arith.remsi %add3A_191, %rem3A_310 : i32
        %mul3A_312 = arith.constant 32 : i32
        %mul3A_313 = arith.muli %rem3A_311, %mul3A_312 : i32
        %add3A_314 = arith.addi %mul3A_2, %mul3A_313 : i32
        %dma_start3A_315 = arith.constant 0 : i32
        %dma_start3A_316 = arith.constant 0 : i32
        %dma_start3A_317 = arith.constant 0 : i32
        %dma_start3A_318 = tpu.memref_slice %arg8[%dma_start3A_315, %dma_start3A_316, %dma_start3A_317] : memref<3x32x768xf32, #tpu.memory_space<vmem>> -> memref<1x32x768xf32, #tpu.memory_space<vmem>>
        %dma_start3A_319 = tpu.memref_squeeze %dma_start3A_318 : memref<1x32x768xf32, #tpu.memory_space<vmem>> -> memref<32x768xf32, #tpu.memory_space<vmem>>
        %dma_start3A_320 = arith.constant 0 : i32
        %dma_start3A_321 = tpu.memref_slice %arg5[%select_n3A_309, %add3A_314, %dma_start3A_320] : memref<4x2048x768xf32, #tpu.memory_space<hbm>> -> memref<1x32x768xf32, #tpu.memory_space<hbm>>
        %dma_start3A_322 = tpu.memref_squeeze %dma_start3A_321 : memref<1x32x768xf32, #tpu.memory_space<hbm>> -> memref<32x768xf32, #tpu.memory_space<hbm>>
        %dma_start3A_323 = arith.constant 0 : i32
        %dma_start3A_324 = tpu.memref_slice %arg5[%select_n3A_309, %add3A_314, %dma_start3A_323] : memref<4x2048x768xf32, #tpu.memory_space<hbm>> -> memref<1x32x768xf32, #tpu.memory_space<hbm>>
        %dma_start3A_325 = tpu.memref_squeeze %dma_start3A_324 : memref<1x32x768xf32, #tpu.memory_space<hbm>> -> memref<32x768xf32, #tpu.memory_space<hbm>>
        %dma_start3A_326 = arith.constant 0 : i32
        %dma_start3A_327 = arith.constant 0 : i32
        %dma_start3A_328 = tpu.memref_slice %arg8[%dma_start3A_315, %dma_start3A_326, %dma_start3A_327] : memref<3x32x768xf32, #tpu.memory_space<vmem>> -> memref<1x32x768xf32, #tpu.memory_space<vmem>>
        %dma_start3A_329 = tpu.memref_squeeze %dma_start3A_328 : memref<1x32x768xf32, #tpu.memory_space<vmem>> -> memref<32x768xf32, #tpu.memory_space<vmem>>
        tpu.enqueue_dma source(%dma_start3A_329 : memref<32x768xf32, #tpu.memory_space<vmem>>) target(%dma_start3A_325 : memref<32x768xf32, #tpu.memory_space<hbm>>) target_semaphore(%arg14 : memref<!tpu.dma_semaphore, #tpu.memory_space<semaphore_mem>>)
      } else {
      }
      %add3A_194 = arith.constant 2 : i32
      %add3A_195 = arith.addi %add3A_191, %add3A_194 : i32
      %lt3A_196 = arith.constant 8 : i32
      %lt3A_197 = arith.cmpi slt, %add3A_195, %lt3A_196 : i32
      %ge3A = arith.constant 1 : i32
      %ge3A_198 = arith.cmpi sge, %add3A_191, %ge3A : i32
      %and3A = arith.andi %lt3A_197, %ge3A_198 : i1
      %convert_element_type3A_199 = arith.extui %and3A : i1 to i32
      %cond3A_200 = arith.constant 0 : i32
      %cond3A_201 = arith.cmpi ne, %convert_element_type3A_199, %cond3A_200 : i32
      scf.if %cond3A_201 {
        %dma_wait3A_251 = arith.constant 2 : i32
        %dma_wait3A_252 = arith.constant 0 : i32
        %dma_wait3A_253 = arith.constant 0 : i32
        %dma_wait3A_254 = arith.constant 0 : i32
        %dma_wait3A_255 = tpu.memref_slice %arg8[%dma_wait3A_251, %dma_wait3A_253, %dma_wait3A_254] : memref<3x32x768xf32, #tpu.memory_space<vmem>> -> memref<1x32x768xf32, #tpu.memory_space<vmem>>
        %dma_wait3A_256 = tpu.memref_squeeze %dma_wait3A_255 : memref<1x32x768xf32, #tpu.memory_space<vmem>> -> memref<32x768xf32, #tpu.memory_space<vmem>>
        %dma_wait3A_257 = arith.constant 0 : i32
        %dma_wait3A_258 = arith.constant 0 : i32
        %dma_wait3A_259 = tpu.memref_slice %arg5[%dma_wait3A_252, %dma_wait3A_257, %dma_wait3A_258] : memref<4x2048x768xf32, #tpu.memory_space<hbm>> -> memref<1x32x768xf32, #tpu.memory_space<hbm>>
        %dma_wait3A_260 = tpu.memref_squeeze %dma_wait3A_259 : memref<1x32x768xf32, #tpu.memory_space<hbm>> -> memref<32x768xf32, #tpu.memory_space<hbm>>
        %dma_wait3A_261 = arith.constant 0 : i32
        %dma_wait3A_262 = arith.constant 0 : i32
        %dma_wait3A_263 = tpu.memref_slice %arg5[%dma_wait3A_252, %dma_wait3A_261, %dma_wait3A_262] : memref<4x2048x768xf32, #tpu.memory_space<hbm>> -> memref<1x32x768xf32, #tpu.memory_space<hbm>>
        %dma_wait3A_264 = tpu.memref_squeeze %dma_wait3A_263 : memref<1x32x768xf32, #tpu.memory_space<hbm>> -> memref<32x768xf32, #tpu.memory_space<hbm>>
        %dma_wait3A_265 = arith.constant 0 : i32
        %dma_wait3A_266 = arith.constant 0 : i32
        %dma_wait3A_267 = tpu.memref_slice %arg8[%dma_wait3A_251, %dma_wait3A_265, %dma_wait3A_266] : memref<3x32x768xf32, #tpu.memory_space<vmem>> -> memref<1x32x768xf32, #tpu.memory_space<vmem>>
        %dma_wait3A_268 = tpu.memref_squeeze %dma_wait3A_267 : memref<1x32x768xf32, #tpu.memory_space<vmem>> -> memref<32x768xf32, #tpu.memory_space<vmem>>
        tpu.wait_dma2 semaphore(%arg16 : memref<!tpu.dma_semaphore, #tpu.memory_space<semaphore_mem>>) src(%dma_wait3A_268 : memref<32x768xf32, #tpu.memory_space<vmem>>) dst(%dma_wait3A_264 : memref<32x768xf32, #tpu.memory_space<hbm>>)
      } else {
      }
      %lt3A_202 = arith.constant 8 : i32
      %lt3A_203 = arith.cmpi slt, %add3A_195, %lt3A_202 : i32
      %convert_element_type3A_204 = arith.extui %lt3A_203 : i1 to i32
      %cond3A_205 = arith.constant 0 : i32
      %cond3A_206 = arith.cmpi ne, %convert_element_type3A_204, %cond3A_205 : i32
      scf.if %cond3A_206 {
        %jit3A = arith.constant 2 : i32
        %div3A = arith.divsi %add3A_195, %jit3A : i32
        %sign3A = arith.constant 0 : i32
        %sign3A_251 = arith.cmpi sgt, %add3A_195, %sign3A : i32
        %sign3A_252 = arith.extui %sign3A_251 : i1 to i32
        %sign3A_253 = arith.constant 0 : i32
        %sign3A_254 = arith.cmpi slt, %add3A_195, %sign3A_253 : i32
        %sign3A_255 = arith.extui %sign3A_254 : i1 to i32
        %sign3A_256 = arith.subi %sign3A_252, %sign3A_255 : i32
        %sign3A_257 = arith.constant 0 : i32
        %sign3A_258 = arith.cmpi sgt, %jit3A, %sign3A_257 : i32
        %sign3A_259 = arith.extui %sign3A_258 : i1 to i32
        %sign3A_260 = arith.constant 0 : i32
        %sign3A_261 = arith.cmpi slt, %jit3A, %sign3A_260 : i32
        %sign3A_262 = arith.extui %sign3A_261 : i1 to i32
        %sign3A_263 = arith.subi %sign3A_259, %sign3A_262 : i32
        %ne3A = arith.cmpi ne, %sign3A_256, %sign3A_263 : i32
        %rem3A = arith.remsi %add3A_195, %jit3A : i32
        %ne3A_264 = arith.constant 0 : i32
        %ne3A_265 = arith.cmpi ne, %rem3A, %ne3A_264 : i32
        %and3A_266 = arith.andi %ne3A, %ne3A_265 : i1
        %sub3A = arith.constant 1 : i32
        %sub3A_267 = arith.subi %div3A, %sub3A : i32
        %select_n3A = arith.select %and3A_266, %sub3A_267, %div3A : i32
        %rem3A_268 = arith.constant 2 : i32
        %rem3A_269 = arith.remsi %add3A_195, %rem3A_268 : i32
        %mul3A_270 = arith.constant 32 : i32
        %mul3A_271 = arith.muli %rem3A_269, %mul3A_270 : i32
        %dma_start3A_272 = arith.constant 2 : i32
        %dma_start3A_273 = arith.constant 0 : i32
        %dma_start3A_274 = arith.constant 0 : i32
        %dma_start3A_275 = tpu.memref_slice %arg8[%dma_start3A_272, %dma_start3A_273, %dma_start3A_274] : memref<3x32x768xf32, #tpu.memory_space<vmem>> -> memref<1x32x768xf32, #tpu.memory_space<vmem>>
        %dma_start3A_276 = tpu.memref_squeeze %dma_start3A_275 : memref<1x32x768xf32, #tpu.memory_space<vmem>> -> memref<32x768xf32, #tpu.memory_space<vmem>>
        %dma_start3A_277 = tpu.memref_slice %arg6[%select_n3A, %mul3A_271] : memref<4x64xi32, #tpu.memory_space<vmem>> -> memref<1x32xi32, #tpu.memory_space<vmem>>
        %dma_start3A_278 = tpu.memref_squeeze %dma_start3A_277 : memref<1x32xi32, #tpu.memory_space<vmem>> -> memref<32xi32, #tpu.memory_space<vmem>>
        %dma_start3A_279 = arith.constant 0 : i32
        %dma_start3A_280 = arith.constant 0 : i32
        %dma_start3A_281 = tpu.memref_slice %arg3[%dma_start3A_279, %dma_start3A_280] : memref<100000x768xf32, #tpu.memory_space<hbm>> -> memref<100000x768xf32, #tpu.memory_space<hbm>>
        tpu.enqueue_indirect_dma source(%dma_start3A_281 : memref<100000x768xf32, #tpu.memory_space<hbm>>) target(%dma_start3A_276 : memref<32x768xf32, #tpu.memory_space<vmem>>) offsets(%dma_start3A_278 : memref<32xi32, #tpu.memory_space<vmem>>) semaphore(%arg13 : memref<!tpu.dma_semaphore, #tpu.memory_space<semaphore_mem>>)
      } else {
      }
      %add3A_207 = arith.constant 1 : i32
      %add3A_208 = arith.addi %mul3A_189, %add3A_207 : i32
      %lt3A_209 = arith.constant 8 : i32
      %lt3A_210 = arith.cmpi slt, %add3A_208, %lt3A_209 : i32
      %convert_element_type3A_211 = arith.extui %lt3A_210 : i1 to i32
      %cond3A_212 = arith.constant 0 : i32
      %cond3A_213 = arith.cmpi ne, %convert_element_type3A_211, %cond3A_212 : i32
      scf.if %cond3A_213 {
        %dma_wait3A_251 = arith.constant 0 : i32
        %dma_wait3A_252 = arith.constant 1 : i32
        %dma_wait3A_253 = arith.constant 0 : i32
        %dma_wait3A_254 = arith.constant 0 : i32
        %dma_wait3A_255 = tpu.memref_slice %arg8[%dma_wait3A_252, %dma_wait3A_253, %dma_wait3A_254] : memref<3x32x768xf32, #tpu.memory_space<vmem>> -> memref<1x32x768xf32, #tpu.memory_space<vmem>>
        %dma_wait3A_256 = tpu.memref_squeeze %dma_wait3A_255 : memref<1x32x768xf32, #tpu.memory_space<vmem>> -> memref<32x768xf32, #tpu.memory_space<vmem>>
        %dma_wait3A_257 = arith.constant 0 : i32
        %dma_wait3A_258 = tpu.memref_slice %arg6[%dma_wait3A_251, %dma_wait3A_257] : memref<4x64xi32, #tpu.memory_space<vmem>> -> memref<1x32xi32, #tpu.memory_space<vmem>>
        %dma_wait3A_259 = tpu.memref_squeeze %dma_wait3A_258 : memref<1x32xi32, #tpu.memory_space<vmem>> -> memref<32xi32, #tpu.memory_space<vmem>>
        %dma_wait3A_260 = arith.constant 0 : i32
        %dma_wait3A_261 = arith.constant 0 : i32
        %dma_wait3A_262 = tpu.memref_slice %arg3[%dma_wait3A_260, %dma_wait3A_261] : memref<100000x768xf32, #tpu.memory_space<hbm>> -> memref<100000x768xf32, #tpu.memory_space<hbm>>
        tpu.wait_indirect_dma semaphore(%arg12 : memref<!tpu.dma_semaphore, #tpu.memory_space<semaphore_mem>>) src(%dma_wait3A_262 : memref<100000x768xf32, #tpu.memory_space<hbm>>) dst(%dma_wait3A_256 : memref<32x768xf32, #tpu.memory_space<vmem>>)
        %jit3A = arith.constant 2 : i32
        %div3A = arith.divsi %add3A_208, %jit3A : i32
        %sign3A = arith.constant 0 : i32
        %sign3A_263 = arith.cmpi sgt, %add3A_208, %sign3A : i32
        %sign3A_264 = arith.extui %sign3A_263 : i1 to i32
        %sign3A_265 = arith.constant 0 : i32
        %sign3A_266 = arith.cmpi slt, %add3A_208, %sign3A_265 : i32
        %sign3A_267 = arith.extui %sign3A_266 : i1 to i32
        %sign3A_268 = arith.subi %sign3A_264, %sign3A_267 : i32
        %sign3A_269 = arith.constant 0 : i32
        %sign3A_270 = arith.cmpi sgt, %jit3A, %sign3A_269 : i32
        %sign3A_271 = arith.extui %sign3A_270 : i1 to i32
        %sign3A_272 = arith.constant 0 : i32
        %sign3A_273 = arith.cmpi slt, %jit3A, %sign3A_272 : i32
        %sign3A_274 = arith.extui %sign3A_273 : i1 to i32
        %sign3A_275 = arith.subi %sign3A_271, %sign3A_274 : i32
        %ne3A = arith.cmpi ne, %sign3A_268, %sign3A_275 : i32
        %rem3A = arith.remsi %add3A_208, %jit3A : i32
        %ne3A_276 = arith.constant 0 : i32
        %ne3A_277 = arith.cmpi ne, %rem3A, %ne3A_276 : i32
        %and3A_278 = arith.andi %ne3A, %ne3A_277 : i1
        %sub3A = arith.constant 1 : i32
        %sub3A_279 = arith.subi %div3A, %sub3A : i32
        %select_n3A = arith.select %and3A_278, %sub3A_279, %div3A : i32
        %rem3A_280 = arith.constant 2 : i32
        %rem3A_281 = arith.remsi %add3A_208, %rem3A_280 : i32
        %mul3A_282 = arith.constant 32 : i32
        %mul3A_283 = arith.muli %rem3A_281, %mul3A_282 : i32
        %parallel_loop3A = arith.constant 0 : i32
        %parallel_loop3A_284 = arith.constant 32 : i32
        %parallel_loop3A_285 = arith.constant 1 : i32
        scf.for %parallel_loop3A_330 = %parallel_loop3A to %parallel_loop3A_284 step %parallel_loop3A_285  : i32 {
          %parallel_loop3A_331 = arith.constant 0 : i32
          %parallel_loop3A_332 = arith.constant 48 : i32
          %parallel_loop3A_333 = arith.constant 1 : i32
          scf.for %parallel_loop3A_334 = %parallel_loop3A_331 to %parallel_loop3A_332 step %parallel_loop3A_333  : i32 {
            %parallel_loop3A_335 = arith.constant 16 : i32
            %parallel_loop3A_336 = arith.muli %parallel_loop3A_334, %parallel_loop3A_335 : i32
            %parallel_loop3A_337 = arith.addi %mul3A_283, %parallel_loop3A_330 : i32
            %parallel_loop3A_338 = arith.index_cast %parallel_loop3A_337 : i32 to index
            %parallel_loop3A_339 = arith.index_cast %parallel_loop3A_336 : i32 to index
            %parallel_loop3A_340 = tpu.vector_load %arg7[%parallel_loop3A_338, %parallel_loop3A_339] {strides = array<i32>} : memref<64x768xf32, #tpu.memory_space<vmem>>, vector<1x16xf32>,
            %parallel_loop3A_341 = vector.shape_cast %parallel_loop3A_340 : vector<1x16xf32> to vector<16xf32>
            %parallel_loop3A_342 = arith.constant 1 : i32
            %parallel_loop3A_343 = arith.index_cast %parallel_loop3A_342 : i32 to index
            %parallel_loop3A_344 = arith.index_cast %parallel_loop3A_330 : i32 to index
            %parallel_loop3A_345 = arith.index_cast %parallel_loop3A_336 : i32 to index
            %parallel_loop3A_346 = tpu.vector_load %arg8[%parallel_loop3A_343, %parallel_loop3A_344, %parallel_loop3A_345] {strides = array<i32>} : memref<3x32x768xf32, #tpu.memory_space<vmem>>, vector<1x1x16xf32>,
            %parallel_loop3A_347 = vector.shape_cast %parallel_loop3A_346 : vector<1x1x16xf32> to vector<16xf32>
            %parallel_loop3A_348 = vector.shape_cast %parallel_loop3A_341 : vector<16xf32> to vector<1x1x16xf32>
            tpu.vector_store %arg8[%parallel_loop3A_343, %parallel_loop3A_344, %parallel_loop3A_345], %parallel_loop3A_348 {add = true, strides = array<i32>} : memref<3x32x768xf32, #tpu.memory_space<vmem>>, vector<1x1x16xf32>,
          } {sc.loop_unroll_factor = 4 : i64, sc.parallel_access}
        } {sc.loop_unroll_factor = 1 : i64, sc.parallel_access}
        %jit3A_286 = arith.constant 2 : i32
        %div3A_287 = arith.divsi %add3A_208, %jit3A_286 : i32
        %sign3A_288 = arith.constant 0 : i32
        %sign3A_289 = arith.cmpi sgt, %add3A_208, %sign3A_288 : i32
        %sign3A_290 = arith.extui %sign3A_289 : i1 to i32
        %sign3A_291 = arith.constant 0 : i32
        %sign3A_292 = arith.cmpi slt, %add3A_208, %sign3A_291 : i32
        %sign3A_293 = arith.extui %sign3A_292 : i1 to i32
        %sign3A_294 = arith.subi %sign3A_290, %sign3A_293 : i32
        %sign3A_295 = arith.constant 0 : i32
        %sign3A_296 = arith.cmpi sgt, %jit3A_286, %sign3A_295 : i32
        %sign3A_297 = arith.extui %sign3A_296 : i1 to i32
        %sign3A_298 = arith.constant 0 : i32
        %sign3A_299 = arith.cmpi slt, %jit3A_286, %sign3A_298 : i32
        %sign3A_300 = arith.extui %sign3A_299 : i1 to i32
        %sign3A_301 = arith.subi %sign3A_297, %sign3A_300 : i32
        %ne3A_302 = arith.cmpi ne, %sign3A_294, %sign3A_301 : i32
        %rem3A_303 = arith.remsi %add3A_208, %jit3A_286 : i32
        %ne3A_304 = arith.constant 0 : i32
        %ne3A_305 = arith.cmpi ne, %rem3A_303, %ne3A_304 : i32
        %and3A_306 = arith.andi %ne3A_302, %ne3A_305 : i1
        %sub3A_307 = arith.constant 1 : i32
        %sub3A_308 = arith.subi %div3A_287, %sub3A_307 : i32
        %select_n3A_309 = arith.select %and3A_306, %sub3A_308, %div3A_287 : i32
        %rem3A_310 = arith.constant 2 : i32
        %rem3A_311 = arith.remsi %add3A_208, %rem3A_310 : i32
        %mul3A_312 = arith.constant 32 : i32
        %mul3A_313 = arith.muli %rem3A_311, %mul3A_312 : i32
        %add3A_314 = arith.addi %mul3A_2, %mul3A_313 : i32
        %dma_start3A_315 = arith.constant 1 : i32
        %dma_start3A_316 = arith.constant 0 : i32
        %dma_start3A_317 = arith.constant 0 : i32
        %dma_start3A_318 = tpu.memref_slice %arg8[%dma_start3A_315, %dma_start3A_316, %dma_start3A_317] : memref<3x32x768xf32, #tpu.memory_space<vmem>> -> memref<1x32x768xf32, #tpu.memory_space<vmem>>
        %dma_start3A_319 = tpu.memref_squeeze %dma_start3A_318 : memref<1x32x768xf32, #tpu.memory_space<vmem>> -> memref<32x768xf32, #tpu.memory_space<vmem>>
        %dma_start3A_320 = arith.constant 0 : i32
        %dma_start3A_321 = tpu.memref_slice %arg5[%select_n3A_309, %add3A_314, %dma_start3A_320] : memref<4x2048x768xf32, #tpu.memory_space<hbm>> -> memref<1x32x768xf32, #tpu.memory_space<hbm>>
        %dma_start3A_322 = tpu.memref_squeeze %dma_start3A_321 : memref<1x32x768xf32, #tpu.memory_space<hbm>> -> memref<32x768xf32, #tpu.memory_space<hbm>>
        %dma_start3A_323 = arith.constant 0 : i32
        %dma_start3A_324 = tpu.memref_slice %arg5[%select_n3A_309, %add3A_314, %dma_start3A_323] : memref<4x2048x768xf32, #tpu.memory_space<hbm>> -> memref<1x32x768xf32, #tpu.memory_space<hbm>>
        %dma_start3A_325 = tpu.memref_squeeze %dma_start3A_324 : memref<1x32x768xf32, #tpu.memory_space<hbm>> -> memref<32x768xf32, #tpu.memory_space<hbm>>
        %dma_start3A_326 = arith.constant 0 : i32
        %dma_start3A_327 = arith.constant 0 : i32
        %dma_start3A_328 = tpu.memref_slice %arg8[%dma_start3A_315, %dma_start3A_326, %dma_start3A_327] : memref<3x32x768xf32, #tpu.memory_space<vmem>> -> memref<1x32x768xf32, #tpu.memory_space<vmem>>
        %dma_start3A_329 = tpu.memref_squeeze %dma_start3A_328 : memref<1x32x768xf32, #tpu.memory_space<vmem>> -> memref<32x768xf32, #tpu.memory_space<vmem>>
        tpu.enqueue_dma source(%dma_start3A_329 : memref<32x768xf32, #tpu.memory_space<vmem>>) target(%dma_start3A_325 : memref<32x768xf32, #tpu.memory_space<hbm>>) target_semaphore(%arg15 : memref<!tpu.dma_semaphore, #tpu.memory_space<semaphore_mem>>)
      } else {
      }
      %add3A_214 = arith.constant 2 : i32
      %add3A_215 = arith.addi %add3A_208, %add3A_214 : i32
      %lt3A_216 = arith.constant 8 : i32
      %lt3A_217 = arith.cmpi slt, %add3A_215, %lt3A_216 : i32
      %ge3A_218 = arith.constant 1 : i32
      %ge3A_219 = arith.cmpi sge, %add3A_208, %ge3A_218 : i32
      %and3A_220 = arith.andi %lt3A_217, %ge3A_219 : i1
      %convert_element_type3A_221 = arith.extui %and3A_220 : i1 to i32
      %cond3A_222 = arith.constant 0 : i32
      %cond3A_223 = arith.cmpi ne, %convert_element_type3A_221, %cond3A_222 : i32
      scf.if %cond3A_223 {
        %dma_wait3A_251 = arith.constant 0 : i32
        %dma_wait3A_252 = arith.constant 0 : i32
        %dma_wait3A_253 = arith.constant 0 : i32
        %dma_wait3A_254 = arith.constant 0 : i32
        %dma_wait3A_255 = tpu.memref_slice %arg8[%dma_wait3A_251, %dma_wait3A_253, %dma_wait3A_254] : memref<3x32x768xf32, #tpu.memory_space<vmem>> -> memref<1x32x768xf32, #tpu.memory_space<vmem>>
        %dma_wait3A_256 = tpu.memref_squeeze %dma_wait3A_255 : memref<1x32x768xf32, #tpu.memory_space<vmem>> -> memref<32x768xf32, #tpu.memory_space<vmem>>
        %dma_wait3A_257 = arith.constant 0 : i32
        %dma_wait3A_258 = arith.constant 0 : i32
        %dma_wait3A_259 = tpu.memref_slice %arg5[%dma_wait3A_252, %dma_wait3A_257, %dma_wait3A_258] : memref<4x2048x768xf32, #tpu.memory_space<hbm>> -> memref<1x32x768xf32, #tpu.memory_space<hbm>>
        %dma_wait3A_260 = tpu.memref_squeeze %dma_wait3A_259 : memref<1x32x768xf32, #tpu.memory_space<hbm>> -> memref<32x768xf32, #tpu.memory_space<hbm>>
        %dma_wait3A_261 = arith.constant 0 : i32
        %dma_wait3A_262 = arith.constant 0 : i32
        %dma_wait3A_263 = tpu.memref_slice %arg5[%dma_wait3A_252, %dma_wait3A_261, %dma_wait3A_262] : memref<4x2048x768xf32, #tpu.memory_space<hbm>> -> memref<1x32x768xf32, #tpu.memory_space<hbm>>
        %dma_wait3A_264 = tpu.memref_squeeze %dma_wait3A_263 : memref<1x32x768xf32, #tpu.memory_space<hbm>> -> memref<32x768xf32, #tpu.memory_space<hbm>>
        %dma_wait3A_265 = arith.constant 0 : i32
        %dma_wait3A_266 = arith.constant 0 : i32
        %dma_wait3A_267 = tpu.memref_slice %arg8[%dma_wait3A_251, %dma_wait3A_265, %dma_wait3A_266] : memref<3x32x768xf32, #tpu.memory_space<vmem>> -> memref<1x32x768xf32, #tpu.memory_space<vmem>>
        %dma_wait3A_268 = tpu.memref_squeeze %dma_wait3A_267 : memref<1x32x768xf32, #tpu.memory_space<vmem>> -> memref<32x768xf32, #tpu.memory_space<vmem>>
        tpu.wait_dma2 semaphore(%arg14 : memref<!tpu.dma_semaphore, #tpu.memory_space<semaphore_mem>>) src(%dma_wait3A_268 : memref<32x768xf32, #tpu.memory_space<vmem>>) dst(%dma_wait3A_264 : memref<32x768xf32, #tpu.memory_space<hbm>>)
      } else {
      }
      %lt3A_224 = arith.constant 8 : i32
      %lt3A_225 = arith.cmpi slt, %add3A_215, %lt3A_224 : i32
      %convert_element_type3A_226 = arith.extui %lt3A_225 : i1 to i32
      %cond3A_227 = arith.constant 0 : i32
      %cond3A_228 = arith.cmpi ne, %convert_element_type3A_226, %cond3A_227 : i32
      scf.if %cond3A_228 {
        %jit3A = arith.constant 2 : i32
        %div3A = arith.divsi %add3A_215, %jit3A : i32
        %sign3A = arith.constant 0 : i32
        %sign3A_251 = arith.cmpi sgt, %add3A_215, %sign3A : i32
        %sign3A_252 = arith.extui %sign3A_251 : i1 to i32
        %sign3A_253 = arith.constant 0 : i32
        %sign3A_254 = arith.cmpi slt, %add3A_215, %sign3A_253 : i32
        %sign3A_255 = arith.extui %sign3A_254 : i1 to i32
        %sign3A_256 = arith.subi %sign3A_252, %sign3A_255 : i32
        %sign3A_257 = arith.constant 0 : i32
        %sign3A_258 = arith.cmpi sgt, %jit3A, %sign3A_257 : i32
        %sign3A_259 = arith.extui %sign3A_258 : i1 to i32
        %sign3A_260 = arith.constant 0 : i32
        %sign3A_261 = arith.cmpi slt, %jit3A, %sign3A_260 : i32
        %sign3A_262 = arith.extui %sign3A_261 : i1 to i32
        %sign3A_263 = arith.subi %sign3A_259, %sign3A_262 : i32
        %ne3A = arith.cmpi ne, %sign3A_256, %sign3A_263 : i32
        %rem3A = arith.remsi %add3A_215, %jit3A : i32
        %ne3A_264 = arith.constant 0 : i32
        %ne3A_265 = arith.cmpi ne, %rem3A, %ne3A_264 : i32
        %and3A_266 = arith.andi %ne3A, %ne3A_265 : i1
        %sub3A = arith.constant 1 : i32
        %sub3A_267 = arith.subi %div3A, %sub3A : i32
        %select_n3A = arith.select %and3A_266, %sub3A_267, %div3A : i32
        %rem3A_268 = arith.constant 2 : i32
        %rem3A_269 = arith.remsi %add3A_215, %rem3A_268 : i32
        %mul3A_270 = arith.constant 32 : i32
        %mul3A_271 = arith.muli %rem3A_269, %mul3A_270 : i32
        %dma_start3A_272 = arith.constant 0 : i32
        %dma_start3A_273 = arith.constant 0 : i32
        %dma_start3A_274 = arith.constant 0 : i32
        %dma_start3A_275 = tpu.memref_slice %arg8[%dma_start3A_272, %dma_start3A_273, %dma_start3A_274] : memref<3x32x768xf32, #tpu.memory_space<vmem>> -> memref<1x32x768xf32, #tpu.memory_space<vmem>>
        %dma_start3A_276 = tpu.memref_squeeze %dma_start3A_275 : memref<1x32x768xf32, #tpu.memory_space<vmem>> -> memref<32x768xf32, #tpu.memory_space<vmem>>
        %dma_start3A_277 = tpu.memref_slice %arg6[%select_n3A, %mul3A_271] : memref<4x64xi32, #tpu.memory_space<vmem>> -> memref<1x32xi32, #tpu.memory_space<vmem>>
        %dma_start3A_278 = tpu.memref_squeeze %dma_start3A_277 : memref<1x32xi32, #tpu.memory_space<vmem>> -> memref<32xi32, #tpu.memory_space<vmem>>
        %dma_start3A_279 = arith.constant 0 : i32
        %dma_start3A_280 = arith.constant 0 : i32
        %dma_start3A_281 = tpu.memref_slice %arg3[%dma_start3A_279, %dma_start3A_280] : memref<100000x768xf32, #tpu.memory_space<hbm>> -> memref<100000x768xf32, #tpu.memory_space<hbm>>
        tpu.enqueue_indirect_dma source(%dma_start3A_281 : memref<100000x768xf32, #tpu.memory_space<hbm>>) target(%dma_start3A_276 : memref<32x768xf32, #tpu.memory_space<vmem>>) offsets(%dma_start3A_278 : memref<32xi32, #tpu.memory_space<vmem>>) semaphore(%arg11 : memref<!tpu.dma_semaphore, #tpu.memory_space<semaphore_mem>>)
      } else {
      }
      %add3A_229 = arith.constant 2 : i32
      %add3A_230 = arith.addi %mul3A_189, %add3A_229 : i32
      %lt3A_231 = arith.constant 8 : i32
      %lt3A_232 = arith.cmpi slt, %add3A_230, %lt3A_231 : i32
      %convert_element_type3A_233 = arith.extui %lt3A_232 : i1 to i32
      %cond3A_234 = arith.constant 0 : i32
      %cond3A_235 = arith.cmpi ne, %convert_element_type3A_233, %cond3A_234 : i32
      scf.if %cond3A_235 {
        %dma_wait3A_251 = arith.constant 0 : i32
        %dma_wait3A_252 = arith.constant 2 : i32
        %dma_wait3A_253 = arith.constant 0 : i32
        %dma_wait3A_254 = arith.constant 0 : i32
        %dma_wait3A_255 = tpu.memref_slice %arg8[%dma_wait3A_252, %dma_wait3A_253, %dma_wait3A_254] : memref<3x32x768xf32, #tpu.memory_space<vmem>> -> memref<1x32x768xf32, #tpu.memory_space<vmem>>
        %dma_wait3A_256 = tpu.memref_squeeze %dma_wait3A_255 : memref<1x32x768xf32, #tpu.memory_space<vmem>> -> memref<32x768xf32, #tpu.memory_space<vmem>>
        %dma_wait3A_257 = arith.constant 0 : i32
        %dma_wait3A_258 = tpu.memref_slice %arg6[%dma_wait3A_251, %dma_wait3A_257] : memref<4x64xi32, #tpu.memory_space<vmem>> -> memref<1x32xi32, #tpu.memory_space<vmem>>
        %dma_wait3A_259 = tpu.memref_squeeze %dma_wait3A_258 : memref<1x32xi32, #tpu.memory_space<vmem>> -> memref<32xi32, #tpu.memory_space<vmem>>
        %dma_wait3A_260 = arith.constant 0 : i32
        %dma_wait3A_261 = arith.constant 0 : i32
        %dma_wait3A_262 = tpu.memref_slice %arg3[%dma_wait3A_260, %dma_wait3A_261] : memref<100000x768xf32, #tpu.memory_space<hbm>> -> memref<100000x768xf32, #tpu.memory_space<hbm>>
        tpu.wait_indirect_dma semaphore(%arg13 : memref<!tpu.dma_semaphore, #tpu.memory_space<semaphore_mem>>) src(%dma_wait3A_262 : memref<100000x768xf32, #tpu.memory_space<hbm>>) dst(%dma_wait3A_256 : memref<32x768xf32, #tpu.memory_space<vmem>>)
        %jit3A = arith.constant 2 : i32
        %div3A = arith.divsi %add3A_230, %jit3A : i32
        %sign3A = arith.constant 0 : i32
        %sign3A_263 = arith.cmpi sgt, %add3A_230, %sign3A : i32
        %sign3A_264 = arith.extui %sign3A_263 : i1 to i32
        %sign3A_265 = arith.constant 0 : i32
        %sign3A_266 = arith.cmpi slt, %add3A_230, %sign3A_265 : i32
        %sign3A_267 = arith.extui %sign3A_266 : i1 to i32
        %sign3A_268 = arith.subi %sign3A_264, %sign3A_267 : i32
        %sign3A_269 = arith.constant 0 : i32
        %sign3A_270 = arith.cmpi sgt, %jit3A, %sign3A_269 : i32
        %sign3A_271 = arith.extui %sign3A_270 : i1 to i32
        %sign3A_272 = arith.constant 0 : i32
        %sign3A_273 = arith.cmpi slt, %jit3A, %sign3A_272 : i32
        %sign3A_274 = arith.extui %sign3A_273 : i1 to i32
        %sign3A_275 = arith.subi %sign3A_271, %sign3A_274 : i32
        %ne3A = arith.cmpi ne, %sign3A_268, %sign3A_275 : i32
        %rem3A = arith.remsi %add3A_230, %jit3A : i32
        %ne3A_276 = arith.constant 0 : i32
        %ne3A_277 = arith.cmpi ne, %rem3A, %ne3A_276 : i32
        %and3A_278 = arith.andi %ne3A, %ne3A_277 : i1
        %sub3A = arith.constant 1 : i32
        %sub3A_279 = arith.subi %div3A, %sub3A : i32
        %select_n3A = arith.select %and3A_278, %sub3A_279, %div3A : i32
        %rem3A_280 = arith.constant 2 : i32
        %rem3A_281 = arith.remsi %add3A_230, %rem3A_280 : i32
        %mul3A_282 = arith.constant 32 : i32
        %mul3A_283 = arith.muli %rem3A_281, %mul3A_282 : i32
        %parallel_loop3A = arith.constant 0 : i32
        %parallel_loop3A_284 = arith.constant 32 : i32
        %parallel_loop3A_285 = arith.constant 1 : i32
        scf.for %parallel_loop3A_330 = %parallel_loop3A to %parallel_loop3A_284 step %parallel_loop3A_285  : i32 {
          %parallel_loop3A_331 = arith.constant 0 : i32
          %parallel_loop3A_332 = arith.constant 48 : i32
          %parallel_loop3A_333 = arith.constant 1 : i32
          scf.for %parallel_loop3A_334 = %parallel_loop3A_331 to %parallel_loop3A_332 step %parallel_loop3A_333  : i32 {
            %parallel_loop3A_335 = arith.constant 16 : i32
            %parallel_loop3A_336 = arith.muli %parallel_loop3A_334, %parallel_loop3A_335 : i32
            %parallel_loop3A_337 = arith.addi %mul3A_283, %parallel_loop3A_330 : i32
            %parallel_loop3A_338 = arith.index_cast %parallel_loop3A_337 : i32 to index
            %parallel_loop3A_339 = arith.index_cast %parallel_loop3A_336 : i32 to index
            %parallel_loop3A_340 = tpu.vector_load %arg7[%parallel_loop3A_338, %parallel_loop3A_339] {strides = array<i32>} : memref<64x768xf32, #tpu.memory_space<vmem>>, vector<1x16xf32>,
            %parallel_loop3A_341 = vector.shape_cast %parallel_loop3A_340 : vector<1x16xf32> to vector<16xf32>
            %parallel_loop3A_342 = arith.constant 2 : i32
            %parallel_loop3A_343 = arith.index_cast %parallel_loop3A_342 : i32 to index
            %parallel_loop3A_344 = arith.index_cast %parallel_loop3A_330 : i32 to index
            %parallel_loop3A_345 = arith.index_cast %parallel_loop3A_336 : i32 to index
            %parallel_loop3A_346 = tpu.vector_load %arg8[%parallel_loop3A_343, %parallel_loop3A_344, %parallel_loop3A_345] {strides = array<i32>} : memref<3x32x768xf32, #tpu.memory_space<vmem>>, vector<1x1x16xf32>,
            %parallel_loop3A_347 = vector.shape_cast %parallel_loop3A_346 : vector<1x1x16xf32> to vector<16xf32>
            %parallel_loop3A_348 = vector.shape_cast %parallel_loop3A_341 : vector<16xf32> to vector<1x1x16xf32>
            tpu.vector_store %arg8[%parallel_loop3A_343, %parallel_loop3A_344, %parallel_loop3A_345], %parallel_loop3A_348 {add = true, strides = array<i32>} : memref<3x32x768xf32, #tpu.memory_space<vmem>>, vector<1x1x16xf32>,
          } {sc.loop_unroll_factor = 4 : i64, sc.parallel_access}
        } {sc.loop_unroll_factor = 1 : i64, sc.parallel_access}
        %jit3A_286 = arith.constant 2 : i32
        %div3A_287 = arith.divsi %add3A_230, %jit3A_286 : i32
        %sign3A_288 = arith.constant 0 : i32
        %sign3A_289 = arith.cmpi sgt, %add3A_230, %sign3A_288 : i32
        %sign3A_290 = arith.extui %sign3A_289 : i1 to i32
        %sign3A_291 = arith.constant 0 : i32
        %sign3A_292 = arith.cmpi slt, %add3A_230, %sign3A_291 : i32
        %sign3A_293 = arith.extui %sign3A_292 : i1 to i32
        %sign3A_294 = arith.subi %sign3A_290, %sign3A_293 : i32
        %sign3A_295 = arith.constant 0 : i32
        %sign3A_296 = arith.cmpi sgt, %jit3A_286, %sign3A_295 : i32
        %sign3A_297 = arith.extui %sign3A_296 : i1 to i32
        %sign3A_298 = arith.constant 0 : i32
        %sign3A_299 = arith.cmpi slt, %jit3A_286, %sign3A_298 : i32
        %sign3A_300 = arith.extui %sign3A_299 : i1 to i32
        %sign3A_301 = arith.subi %sign3A_297, %sign3A_300 : i32
        %ne3A_302 = arith.cmpi ne, %sign3A_294, %sign3A_301 : i32
        %rem3A_303 = arith.remsi %add3A_230, %jit3A_286 : i32
        %ne3A_304 = arith.constant 0 : i32
        %ne3A_305 = arith.cmpi ne, %rem3A_303, %ne3A_304 : i32
        %and3A_306 = arith.andi %ne3A_302, %ne3A_305 : i1
        %sub3A_307 = arith.constant 1 : i32
        %sub3A_308 = arith.subi %div3A_287, %sub3A_307 : i32
        %select_n3A_309 = arith.select %and3A_306, %sub3A_308, %div3A_287 : i32
        %rem3A_310 = arith.constant 2 : i32
        %rem3A_311 = arith.remsi %add3A_230, %rem3A_310 : i32
        %mul3A_312 = arith.constant 32 : i32
        %mul3A_313 = arith.muli %rem3A_311, %mul3A_312 : i32
        %add3A_314 = arith.addi %mul3A_2, %mul3A_313 : i32
        %dma_start3A_315 = arith.constant 2 : i32
        %dma_start3A_316 = arith.constant 0 : i32
        %dma_start3A_317 = arith.constant 0 : i32
        %dma_start3A_318 = tpu.memref_slice %arg8[%dma_start3A_315, %dma_start3A_316, %dma_start3A_317] : memref<3x32x768xf32, #tpu.memory_space<vmem>> -> memref<1x32x768xf32, #tpu.memory_space<vmem>>
        %dma_start3A_319 = tpu.memref_squeeze %dma_start3A_318 : memref<1x32x768xf32, #tpu.memory_space<vmem>> -> memref<32x768xf32, #tpu.memory_space<vmem>>
        %dma_start3A_320 = arith.constant 0 : i32
        %dma_start3A_321 = tpu.memref_slice %arg5[%select_n3A_309, %add3A_314, %dma_start3A_320] : memref<4x2048x768xf32, #tpu.memory_space<hbm>> -> memref<1x32x768xf32, #tpu.memory_space<hbm>>
        %dma_start3A_322 = tpu.memref_squeeze %dma_start3A_321 : memref<1x32x768xf32, #tpu.memory_space<hbm>> -> memref<32x768xf32, #tpu.memory_space<hbm>>
        %dma_start3A_323 = arith.constant 0 : i32
        %dma_start3A_324 = tpu.memref_slice %arg5[%select_n3A_309, %add3A_314, %dma_start3A_323] : memref<4x2048x768xf32, #tpu.memory_space<hbm>> -> memref<1x32x768xf32, #tpu.memory_space<hbm>>
        %dma_start3A_325 = tpu.memref_squeeze %dma_start3A_324 : memref<1x32x768xf32, #tpu.memory_space<hbm>> -> memref<32x768xf32, #tpu.memory_space<hbm>>
        %dma_start3A_326 = arith.constant 0 : i32
        %dma_start3A_327 = arith.constant 0 : i32
        %dma_start3A_328 = tpu.memref_slice %arg8[%dma_start3A_315, %dma_start3A_326, %dma_start3A_327] : memref<3x32x768xf32, #tpu.memory_space<vmem>> -> memref<1x32x768xf32, #tpu.memory_space<vmem>>
        %dma_start3A_329 = tpu.memref_squeeze %dma_start3A_328 : memref<1x32x768xf32, #tpu.memory_space<vmem>> -> memref<32x768xf32, #tpu.memory_space<vmem>>
        tpu.enqueue_dma source(%dma_start3A_329 : memref<32x768xf32, #tpu.memory_space<vmem>>) target(%dma_start3A_325 : memref<32x768xf32, #tpu.memory_space<hbm>>) target_semaphore(%arg16 : memref<!tpu.dma_semaphore, #tpu.memory_space<semaphore_mem>>)
      } else {
      }
      %add3A_236 = arith.constant 2 : i32
      %add3A_237 = arith.addi %add3A_230, %add3A_236 : i32
      %lt3A_238 = arith.constant 8 : i32
      %lt3A_239 = arith.cmpi slt, %add3A_237, %lt3A_238 : i32
      %ge3A_240 = arith.constant 1 : i32
      %ge3A_241 = arith.cmpi sge, %add3A_230, %ge3A_240 : i32
      %and3A_242 = arith.andi %lt3A_239, %ge3A_241 : i1
      %convert_element_type3A_243 = arith.extui %and3A_242 : i1 to i32
      %cond3A_244 = arith.constant 0 : i32
      %cond3A_245 = arith.cmpi ne, %convert_element_type3A_243, %cond3A_244 : i32
      scf.if %cond3A_245 {
        %dma_wait3A_251 = arith.constant 1 : i32
        %dma_wait3A_252 = arith.constant 0 : i32
        %dma_wait3A_253 = arith.constant 0 : i32
        %dma_wait3A_254 = arith.constant 0 : i32
        %dma_wait3A_255 = tpu.memref_slice %arg8[%dma_wait3A_251, %dma_wait3A_253, %dma_wait3A_254] : memref<3x32x768xf32, #tpu.memory_space<vmem>> -> memref<1x32x768xf32, #tpu.memory_space<vmem>>
        %dma_wait3A_256 = tpu.memref_squeeze %dma_wait3A_255 : memref<1x32x768xf32, #tpu.memory_space<vmem>> -> memref<32x768xf32, #tpu.memory_space<vmem>>
        %dma_wait3A_257 = arith.constant 0 : i32
        %dma_wait3A_258 = arith.constant 0 : i32
        %dma_wait3A_259 = tpu.memref_slice %arg5[%dma_wait3A_252, %dma_wait3A_257, %dma_wait3A_258] : memref<4x2048x768xf32, #tpu.memory_space<hbm>> -> memref<1x32x768xf32, #tpu.memory_space<hbm>>
        %dma_wait3A_260 = tpu.memref_squeeze %dma_wait3A_259 : memref<1x32x768xf32, #tpu.memory_space<hbm>> -> memref<32x768xf32, #tpu.memory_space<hbm>>
        %dma_wait3A_261 = arith.constant 0 : i32
        %dma_wait3A_262 = arith.constant 0 : i32
        %dma_wait3A_263 = tpu.memref_slice %arg5[%dma_wait3A_252, %dma_wait3A_261, %dma_wait3A_262] : memref<4x2048x768xf32, #tpu.memory_space<hbm>> -> memref<1x32x768xf32, #tpu.memory_space<hbm>>
        %dma_wait3A_264 = tpu.memref_squeeze %dma_wait3A_263 : memref<1x32x768xf32, #tpu.memory_space<hbm>> -> memref<32x768xf32, #tpu.memory_space<hbm>>
        %dma_wait3A_265 = arith.constant 0 : i32
        %dma_wait3A_266 = arith.constant 0 : i32
        %dma_wait3A_267 = tpu.memref_slice %arg8[%dma_wait3A_251, %dma_wait3A_265, %dma_wait3A_266] : memref<3x32x768xf32, #tpu.memory_space<vmem>> -> memref<1x32x768xf32, #tpu.memory_space<vmem>>
        %dma_wait3A_268 = tpu.memref_squeeze %dma_wait3A_267 : memref<1x32x768xf32, #tpu.memory_space<vmem>> -> memref<32x768xf32, #tpu.memory_space<vmem>>
        tpu.wait_dma2 semaphore(%arg15 : memref<!tpu.dma_semaphore, #tpu.memory_space<semaphore_mem>>) src(%dma_wait3A_268 : memref<32x768xf32, #tpu.memory_space<vmem>>) dst(%dma_wait3A_264 : memref<32x768xf32, #tpu.memory_space<hbm>>)
      } else {
      }
      %lt3A_246 = arith.constant 8 : i32
      %lt3A_247 = arith.cmpi slt, %add3A_237, %lt3A_246 : i32
      %convert_element_type3A_248 = arith.extui %lt3A_247 : i1 to i32
      %cond3A_249 = arith.constant 0 : i32
      %cond3A_250 = arith.cmpi ne, %convert_element_type3A_248, %cond3A_249 : i32
      scf.if %cond3A_250 {
        %jit3A = arith.constant 2 : i32
        %div3A = arith.divsi %add3A_237, %jit3A : i32
        %sign3A = arith.constant 0 : i32
        %sign3A_251 = arith.cmpi sgt, %add3A_237, %sign3A : i32
        %sign3A_252 = arith.extui %sign3A_251 : i1 to i32
        %sign3A_253 = arith.constant 0 : i32
        %sign3A_254 = arith.cmpi slt, %add3A_237, %sign3A_253 : i32
        %sign3A_255 = arith.extui %sign3A_254 : i1 to i32
        %sign3A_256 = arith.subi %sign3A_252, %sign3A_255 : i32
        %sign3A_257 = arith.constant 0 : i32
        %sign3A_258 = arith.cmpi sgt, %jit3A, %sign3A_257 : i32
        %sign3A_259 = arith.extui %sign3A_258 : i1 to i32
        %sign3A_260 = arith.constant 0 : i32
        %sign3A_261 = arith.cmpi slt, %jit3A, %sign3A_260 : i32
        %sign3A_262 = arith.extui %sign3A_261 : i1 to i32
        %sign3A_263 = arith.subi %sign3A_259, %sign3A_262 : i32
        %ne3A = arith.cmpi ne, %sign3A_256, %sign3A_263 : i32
        %rem3A = arith.remsi %add3A_237, %jit3A : i32
        %ne3A_264 = arith.constant 0 : i32
        %ne3A_265 = arith.cmpi ne, %rem3A, %ne3A_264 : i32
        %and3A_266 = arith.andi %ne3A, %ne3A_265 : i1
        %sub3A = arith.constant 1 : i32
        %sub3A_267 = arith.subi %div3A, %sub3A : i32
        %select_n3A = arith.select %and3A_266, %sub3A_267, %div3A : i32
        %rem3A_268 = arith.constant 2 : i32
        %rem3A_269 = arith.remsi %add3A_237, %rem3A_268 : i32
        %mul3A_270 = arith.constant 32 : i32
        %mul3A_271 = arith.muli %rem3A_269, %mul3A_270 : i32
        %dma_start3A_272 = arith.constant 1 : i32
        %dma_start3A_273 = arith.constant 0 : i32
        %dma_start3A_274 = arith.constant 0 : i32
        %dma_start3A_275 = tpu.memref_slice %arg8[%dma_start3A_272, %dma_start3A_273, %dma_start3A_274] : memref<3x32x768xf32, #tpu.memory_space<vmem>> -> memref<1x32x768xf32, #tpu.memory_space<vmem>>
        %dma_start3A_276 = tpu.memref_squeeze %dma_start3A_275 : memref<1x32x768xf32, #tpu.memory_space<vmem>> -> memref<32x768xf32, #tpu.memory_space<vmem>>
        %dma_start3A_277 = tpu.memref_slice %arg6[%select_n3A, %mul3A_271] : memref<4x64xi32, #tpu.memory_space<vmem>> -> memref<1x32xi32, #tpu.memory_space<vmem>>
        %dma_start3A_278 = tpu.memref_squeeze %dma_start3A_277 : memref<1x32xi32, #tpu.memory_space<vmem>> -> memref<32xi32, #tpu.memory_space<vmem>>
        %dma_start3A_279 = arith.constant 0 : i32
        %dma_start3A_280 = arith.constant 0 : i32
        %dma_start3A_281 = tpu.memref_slice %arg3[%dma_start3A_279, %dma_start3A_280] : memref<100000x768xf32, #tpu.memory_space<hbm>> -> memref<100000x768xf32, #tpu.memory_space<hbm>>
        tpu.enqueue_indirect_dma source(%dma_start3A_281 : memref<100000x768xf32, #tpu.memory_space<hbm>>) target(%dma_start3A_276 : memref<32x768xf32, #tpu.memory_space<vmem>>) offsets(%dma_start3A_278 : memref<32xi32, #tpu.memory_space<vmem>>) semaphore(%arg12 : memref<!tpu.dma_semaphore, #tpu.memory_space<semaphore_mem>>)
      } else {
      }
    }
    %scan3A_132 = arith.constant 3 : i32
    %dma_wait3A_133 = arith.constant 2 : i32
    %dma_wait3A_134 = arith.constant 0 : i32
    %dma_wait3A_135 = arith.constant 0 : i32
    %dma_wait3A_136 = arith.constant 0 : i32
    %dma_wait3A_137 = tpu.memref_slice %arg8[%dma_wait3A_133, %dma_wait3A_135, %dma_wait3A_136] : memref<3x32x768xf32, #tpu.memory_space<vmem>> -> memref<1x32x768xf32, #tpu.memory_space<vmem>>
    %dma_wait3A_138 = tpu.memref_squeeze %dma_wait3A_137 : memref<1x32x768xf32, #tpu.memory_space<vmem>> -> memref<32x768xf32, #tpu.memory_space<vmem>>
    %dma_wait3A_139 = arith.constant 0 : i32
    %dma_wait3A_140 = arith.constant 0 : i32
    %dma_wait3A_141 = tpu.memref_slice %arg5[%dma_wait3A_134, %dma_wait3A_139, %dma_wait3A_140] : memref<4x2048x768xf32, #tpu.memory_space<hbm>> -> memref<1x32x768xf32, #tpu.memory_space<hbm>>
    %dma_wait3A_142 = tpu.memref_squeeze %dma_wait3A_141 : memref<1x32x768xf32, #tpu.memory_space<hbm>> -> memref<32x768xf32, #tpu.memory_space<hbm>>
    %dma_wait3A_143 = arith.constant 0 : i32
    %dma_wait3A_144 = arith.constant 0 : i32
    %dma_wait3A_145 = tpu.memref_slice %arg5[%dma_wait3A_134, %dma_wait3A_143, %dma_wait3A_144] : memref<4x2048x768xf32, #tpu.memory_space<hbm>> -> memref<1x32x768xf32, #tpu.memory_space<hbm>>
    %dma_wait3A_146 = tpu.memref_squeeze %dma_wait3A_145 : memref<1x32x768xf32, #tpu.memory_space<hbm>> -> memref<32x768xf32, #tpu.memory_space<hbm>>
    %dma_wait3A_147 = arith.constant 0 : i32
    %dma_wait3A_148 = arith.constant 0 : i32
    %dma_wait3A_149 = tpu.memref_slice %arg8[%dma_wait3A_133, %dma_wait3A_147, %dma_wait3A_148] : memref<3x32x768xf32, #tpu.memory_space<vmem>> -> memref<1x32x768xf32, #tpu.memory_space<vmem>>
    %dma_wait3A_150 = tpu.memref_squeeze %dma_wait3A_149 : memref<1x32x768xf32, #tpu.memory_space<vmem>> -> memref<32x768xf32, #tpu.memory_space<vmem>>
    tpu.wait_dma2 semaphore(%arg16 : memref<!tpu.dma_semaphore, #tpu.memory_space<semaphore_mem>>) src(%dma_wait3A_150 : memref<32x768xf32, #tpu.memory_space<vmem>>) dst(%dma_wait3A_146 : memref<32x768xf32, #tpu.memory_space<hbm>>)
    %dma_wait3A_151 = arith.constant 0 : i32
    %dma_wait3A_152 = arith.constant 0 : i32
    %dma_wait3A_153 = arith.constant 0 : i32
    %dma_wait3A_154 = arith.constant 0 : i32
    %dma_wait3A_155 = tpu.memref_slice %arg8[%dma_wait3A_151, %dma_wait3A_153, %dma_wait3A_154] : memref<3x32x768xf32, #tpu.memory_space<vmem>> -> memref<1x32x768xf32, #tpu.memory_space<vmem>>
    %dma_wait3A_156 = tpu.memref_squeeze %dma_wait3A_155 : memref<1x32x768xf32, #tpu.memory_space<vmem>> -> memref<32x768xf32, #tpu.memory_space<vmem>>
    %dma_wait3A_157 = arith.constant 0 : i32
    %dma_wait3A_158 = arith.constant 0 : i32
    %dma_wait3A_159 = tpu.memref_slice %arg5[%dma_wait3A_152, %dma_wait3A_157, %dma_wait3A_158] : memref<4x2048x768xf32, #tpu.memory_space<hbm>> -> memref<1x32x768xf32, #tpu.memory_space<hbm>>
    %dma_wait3A_160 = tpu.memref_squeeze %dma_wait3A_159 : memref<1x32x768xf32, #tpu.memory_space<hbm>> -> memref<32x768xf32, #tpu.memory_space<hbm>>
    %dma_wait3A_161 = arith.constant 0 : i32
    %dma_wait3A_162 = arith.constant 0 : i32
    %dma_wait3A_163 = tpu.memref_slice %arg5[%dma_wait3A_152, %dma_wait3A_161, %dma_wait3A_162] : memref<4x2048x768xf32, #tpu.memory_space<hbm>> -> memref<1x32x768xf32, #tpu.memory_space<hbm>>
    %dma_wait3A_164 = tpu.memref_squeeze %dma_wait3A_163 : memref<1x32x768xf32, #tpu.memory_space<hbm>> -> memref<32x768xf32, #tpu.memory_space<hbm>>
    %dma_wait3A_165 = arith.constant 0 : i32
    %dma_wait3A_166 = arith.constant 0 : i32
    %dma_wait3A_167 = tpu.memref_slice %arg8[%dma_wait3A_151, %dma_wait3A_165, %dma_wait3A_166] : memref<3x32x768xf32, #tpu.memory_space<vmem>> -> memref<1x32x768xf32, #tpu.memory_space<vmem>>
    %dma_wait3A_168 = tpu.memref_squeeze %dma_wait3A_167 : memref<1x32x768xf32, #tpu.memory_space<vmem>> -> memref<32x768xf32, #tpu.memory_space<vmem>>
    tpu.wait_dma2 semaphore(%arg14 : memref<!tpu.dma_semaphore, #tpu.memory_space<semaphore_mem>>) src(%dma_wait3A_168 : memref<32x768xf32, #tpu.memory_space<vmem>>) dst(%dma_wait3A_164 : memref<32x768xf32, #tpu.memory_space<hbm>>)
    %dma_wait3A_169 = arith.constant 1 : i32
    %dma_wait3A_170 = arith.constant 0 : i32
    %dma_wait3A_171 = arith.constant 0 : i32
    %dma_wait3A_172 = arith.constant 0 : i32
    %dma_wait3A_173 = tpu.memref_slice %arg8[%dma_wait3A_169, %dma_wait3A_171, %dma_wait3A_172] : memref<3x32x768xf32, #tpu.memory_space<vmem>> -> memref<1x32x768xf32, #tpu.memory_space<vmem>>
    %dma_wait3A_174 = tpu.memref_squeeze %dma_wait3A_173 : memref<1x32x768xf32, #tpu.memory_space<vmem>> -> memref<32x768xf32, #tpu.memory_space<vmem>>
    %dma_wait3A_175 = arith.constant 0 : i32
    %dma_wait3A_176 = arith.constant 0 : i32
    %dma_wait3A_177 = tpu.memref_slice %arg5[%dma_wait3A_170, %dma_wait3A_175, %dma_wait3A_176] : memref<4x2048x768xf32, #tpu.memory_space<hbm>> -> memref<1x32x768xf32, #tpu.memory_space<hbm>>
    %dma_wait3A_178 = tpu.memref_squeeze %dma_wait3A_177 : memref<1x32x768xf32, #tpu.memory_space<hbm>> -> memref<32x768xf32, #tpu.memory_space<hbm>>
    %dma_wait3A_179 = arith.constant 0 : i32
    %dma_wait3A_180 = arith.constant 0 : i32
    %dma_wait3A_181 = tpu.memref_slice %arg5[%dma_wait3A_170, %dma_wait3A_179, %dma_wait3A_180] : memref<4x2048x768xf32, #tpu.memory_space<hbm>> -> memref<1x32x768xf32, #tpu.memory_space<hbm>>
    %dma_wait3A_182 = tpu.memref_squeeze %dma_wait3A_181 : memref<1x32x768xf32, #tpu.memory_space<hbm>> -> memref<32x768xf32, #tpu.memory_space<hbm>>
    %dma_wait3A_183 = arith.constant 0 : i32
    %dma_wait3A_184 = arith.constant 0 : i32
    %dma_wait3A_185 = tpu.memref_slice %arg8[%dma_wait3A_169, %dma_wait3A_183, %dma_wait3A_184] : memref<3x32x768xf32, #tpu.memory_space<vmem>> -> memref<1x32x768xf32, #tpu.memory_space<vmem>>
    %dma_wait3A_186 = tpu.memref_squeeze %dma_wait3A_185 : memref<1x32x768xf32, #tpu.memory_space<vmem>> -> memref<32x768xf32, #tpu.memory_space<vmem>>
    tpu.wait_dma2 semaphore(%arg15 : memref<!tpu.dma_semaphore, #tpu.memory_space<semaphore_mem>>) src(%dma_wait3A_186 : memref<32x768xf32, #tpu.memory_space<vmem>>) dst(%dma_wait3A_182 : memref<32x768xf32, #tpu.memory_space<hbm>>)
    return
  }
}

</mosaic_0001>

<sc_bundles>
// kernel: kernel.3.cloned.1.call-start
scs
__scs_entry_jumppad:
0x0: {  	(pc) =	sbr.rel $0x88, $3  }
0x1: {  	(tag) =	ssettag $0x0;
	lr =	simm.s32 $0x1  }
0x2: {  	[smem:$0x3F9E] =	sst lr;
	_ =	strace $0xD0000000  }
0x3: {  	_ = 	snop  }
0x4: {  	_ = 	snop  }
0x5: {  	_ = 	snop  }
0x6: {  	_ = 	snop  }
0x7: {  	_ = 	snop  }
__scs_overlays_trampoline_lowered:
0x8: {  	[smem:$0x3FAD] =	sst s0  }
0x9: {  	[smem:$0x3FAE] =	sst s1  }
0xa: {  	[smem:$0x3FAF] =	sst s2  }
0xb: {  	[smem:$0x3FB0] =	sst s3  }
0xc: {  	[smem:$0x3FB1] =	sst s4  }
0xd: {  	[smem:$0x3FB2] =	sst s5  }
0xe: {  	[smem:$0x3FB3] =	sst s6  }
0xf: {  	[smem:$0x3FB4] =	sst s7  }
0x10: {  	[smem:$0x3FB5] =	sst s8  }
0x11: {  	[smem:$0x3FB6] =	sst s9;
	s0 =	simm.s32 @!p0 $0x0  }
0x12: {  	s1 =	sld [smem:$0x3F9C];
	s0 =	simm.s32 @p0 $0x1  }
0x13: {  	[smem:$0x3FB7] =	sst s0;
	s0 =	simm.s32 @!p1 $0x0  }
0x14: {  	s2 =	sld [smem:$0x3F9B];
	s0 =	simm.s32 @p1 $0x1  }
0x15: {  	[smem:$0x3FB8] =	sst s0;
	s0 =	simm.s32 @!p2 $0x0  }
0x16: {  	s3 =	sld [smem:$0x3FDB];
	s0 =	simm.s32 @p2 $0x1  }
0x17: {  	s4 =	simm.s32 $0x1BF5;
	[smem:$0x3FBA] =	sst s0  }
0x18: {  	s0 =	sld [smem:$0x3F9D];
	_ =	swait.ge [sflag:s4], $0x0  }
0x19: {  	s7 =	sld [smem:$0x3F9E]  }
0x1a: {  	s8 =	sadd.s32 $0xFFFFE003, lr  }
0x1b: {  	s9 =	sadd.s32 $0xFFFFFEF7, lr;
	s5 =	simm.s32 $0xFFFFFFFF;
	p2 =	slt.u32 s8, $0xFFFFF086  }
0x1c: {  	p1 =	slt.u32 s9, $0xF7A;
	s5 =	simm.s32 @!p2 $0x0  }
0x1d: {  	s5 =	simm.s32 @p1 $0x1;
	p0 =	seq.s32 s7, s2  }
0x1e: {  	s7 =	smul.u32 @!p0 $0xF7A, s2;
	p2 =	seq.s32 @!p0 s5, $0x0  }
0x1f: {  	s9 =	smul.u32 $0xF7A, s1;
	s8 =	simm.s32 @!p0 $0x1BF5;
	p2 =	por !p2, p0  }
0x20: {  	[sflag:s8] =	ssyncset.s32 @!p0 $0xFFFFF086;
	s6 =	sadd.s32 @!p0 s3, s7;
	s7 =	simm.s32 @!p0 $0x108  }
0x21: {  	s3 =	sadd.s32 s3, s9;
	s6 =	sadd.s32 @!p0 $0x88, s6;
	s7 =	simm.s32 @p2 $0x1082  }
0x22: {  	[simem:s7], [sflag:s8] =	dma.local @!p0 [hbm:s6], $0xF7A  }
0x23: {  	s9 =	sor.u32 $0xD0000000, s2;
	s6 =	simm.s32 $0x108;
	_ =	swait.ge @!p0 [sflag:s8], $0x0  }
0x24: {  	s3 =	sadd.s32 $0x88, s3;
	s6 =	simm.s32 @!p1 $0x1082;
	[sflag:s4] =	ssyncset.s32 $0xFFFFF086  }
0x25: {  	[simem:s6], [sflag:s4] =	dma.local [hbm:s3], $0xF7A  }
0x26: {  	[smem:$0x3F9E] =	sst s1;
	(tag) =	ssettag s2;
	_ =	strace s9  }
0x27: {  	s1 =	sld [smem:$0x3FAE]  }
0x28: {  	s2 =	sld [smem:$0x3FAF]  }
0x29: {  	s4 =	sld [smem:$0x3FB1]  }
0x2a: {  	p0 =	seq.s32 s5, $0x0;
	s5 =	sld [smem:$0x3FB2]  }
0x2b: {  	s6 =	sld [smem:$0x3FB3]  }
0x2c: {  	s7 =	sld [smem:$0x3FB4]  }
0x2d: {  	s3 =	simm.s32 $0x108;
	s8 =	sld [smem:$0x3FB5]  }
0x2e: {  	s3 =	simm.s32 @!p0 $0x1082;
	s9 =	sld [smem:$0x3FB6]  }
0x2f: {  	lr =	sadd.s32 s0, s3;
	s0 =	sld [smem:$0x3FAD]  }
0x30: {  	s3 =	sld [smem:$0x3FB0]  }
0x31: {  	[smem:$0x3FB9] =	sst s10  }
0x32: {  	s10 =	sld [smem:$0x3FB7];
	_ =	sdelay $0x3  }
0x33: {  	p0 =	seq.s32 s10, $0x1;
	s10 =	sld [smem:$0x3FB9];
	_ =	sdelay $0x3  }
0x34: {  	[smem:$0x3FB9] =	sst s10  }
0x35: {  	s10 =	sld [smem:$0x3FB8];
	_ =	sdelay $0x3  }
0x36: {  	p1 =	seq.s32 s10, $0x1;
	s10 =	sld [smem:$0x3FB9];
	_ =	sdelay $0x3  }
0x37: {  	[smem:$0x3FB9] =	sst s10  }
0x38: {  	s10 =	sld [smem:$0x3FBA]  }
0x39: {  	_ = 	snop;
	(pc) =	sbr.ind lr, $3  }
0x3a: {  	_ = 	snop  }
0x3b: {  	_ = 	snop  }
0x3c: {  	p2 =	seq.s32 s10, $0x1;
	s10 =	sld [smem:$0x3FB9]  }
0x3d: {  	_ =	shalt  }
0x3e: {  	_ =	shalt  }
0x3f: {  	_ =	shalt  }
0x40: {  	_ =	shalt  }
0x41: {  	_ =	shalt  }
0x42: {  	_ =	shalt  }
0x43: {  	_ =	shalt  }
0x44: {  	_ =	shalt  }
0x45: {  	_ =	shalt  }
0x46: {  	_ =	shalt  }
0x47: {  	_ =	shalt  }
0x48: {  	_ =	shalt  }
0x49: {  	_ =	shalt  }
0x4a: {  	_ =	shalt  }
0x4b: {  	_ =	shalt  }
0x4c: {  	_ =	shalt  }
0x4d: {  	_ =	shalt  }
0x4e: {  	_ =	shalt  }
0x4f: {  	_ =	shalt  }
0x50: {  	_ =	shalt  }
0x51: {  	_ =	shalt  }
0x52: {  	_ =	shalt  }
0x53: {  	_ =	shalt  }
0x54: {  	_ =	shalt  }
0x55: {  	_ =	shalt  }
0x56: {  	_ =	shalt  }
0x57: {  	_ =	shalt  }
0x58: {  	_ =	shalt  }
0x59: {  	_ =	shalt  }
0x5a: {  	_ =	shalt  }
0x5b: {  	_ =	shalt  }
0x5c: {  	_ =	shalt  }
0x5d: {  	_ =	shalt  }
0x5e: {  	_ =	shalt  }
0x5f: {  	_ =	shalt  }
0x60: {  	_ =	shalt  }
0x61: {  	_ =	shalt  }
0x62: {  	_ =	shalt  }
0x63: {  	_ =	shalt  }
0x64: {  	_ =	shalt  }
0x65: {  	_ =	shalt  }
0x66: {  	_ =	shalt  }
0x67: {  	_ =	shalt  }
0x68: {  	_ =	shalt  }
0x69: {  	_ =	shalt  }
0x6a: {  	_ =	shalt  }
0x6b: {  	_ =	shalt  }
0x6c: {  	_ =	shalt  }
0x6d: {  	_ =	shalt  }
0x6e: {  	_ =	shalt  }
0x6f: {  	_ =	shalt  }
0x70: {  	_ =	shalt  }
0x71: {  	_ =	shalt  }
0x72: {  	_ =	shalt  }
0x73: {  	_ =	shalt  }
0x74: {  	_ =	shalt  }
0x75: {  	_ =	shalt  }
0x76: {  	_ =	shalt  }
0x77: {  	_ =	shalt  }
0x78: {  	_ =	shalt  }
0x79: {  	_ =	shalt  }
0x7a: {  	_ =	shalt  }
0x7b: {  	_ =	shalt  }
0x7c: {  	_ =	shalt  }
0x7d: {  	_ =	shalt  }
0x7e: {  	_ =	shalt  }
0x7f: {  	_ =	shalt  }
0x80: {  	_ =	shalt  }
0x81: {  	_ =	shalt  }
0x82: {  	_ =	shalt  }
0x83: {  	_ =	shalt  }
0x84: {  	_ =	shalt  }
0x85: {  	_ =	shalt  }
0x86: {  	_ =	shalt  }
0x87: {  	_ =	shalt  }
.Lfunc_end0:
.L_simem_size_0:
called_computation_lowered:
.L_overlay_start_0:
0x88: {  	s2 =	sld [smem:$0x3FD9]  }
0x89: {  	s3 =	sld [smem:$0x3FFE];
	_ =	sdelay $0x1  }
0x8a: {  	s1 =	srdreg.scid  }
0x8b: {  	s0 =	sand.u32 $0x1, s1  }
0x8c: {  	s18 =	sshll.u32 s0, $0xA;
	s2 =	sadd.s32 s3, s2  }
0x8d: {  	s2 =	sadd.s32 s2, s18  }
0x8e: {  	[smem:$0x3FC5] =	sst s2  }
0x8f: {  	_ = 	snop  }
0x90: {  	s2 =	sld [smem:$0x3FC9]  }
0x91: {  	s19 =	sld [smem:$0x3FC8]  }
0x92: {  	s4 =	sld [smem:$0x3FC7]  }
0x93: {  	s5 =	sld [smem:$0x3FD0];
	(tm) =	ssettm $0x1  }
0x94: {  	s6 =	sld [smem:$0x3FFB];
	_ =	sdelay $0x3  }
0x95: {  	_ =	strace s6  }
0x96: {  	s6 =	sld [smem:$0x3FFC];
	_ =	sdelay $0x3  }
0x97: {  	_ =	strace s6  }
0x98: {  	s6 =	sld [smem:$0x3FFD];
	_ =	sdelay $0x3  }
0x99: {  	_ =	strace s6  }
0x9a: {  	_ =	strace $0x8FFFFFFF  }
0x9b: {  	s20 =	sld [smem:$0x3FDB];
	_ =	sdelay $0x1  }
0x9c: {  	s7 =	simm.s32 $_scs_section_size  }
0x9d: {  	s8 =	simm.s32 $_size__tile_overlayer_lowered;
	s9 =	simm.s32 $_tile_overlayer_lowered  }
0x9e: {  	s23 =	simm.s32 $0x1BFF;
	s22 =	sshll.u32 s9, $0x1;
	s6 =	sadd.s32 s7, s20  }
0x9f: {  	s10 =	simm.s32 $0x0;
	s21 =	sshll.u32 s8, $0x1;
	s8 =	sadd.s32 s22, s6  }
0xa0: {  	[timem:s10], [sflag:s23] =	dma.local [hbm:s8], s21  }
0xa1: {  	_ =	swait.ge [sflag:s23], s21  }
0xa2: {  	s7 =	ssub.s32 $0x0, s21;
	[sflag:s23] =	ssyncset.done $0x0  }
0xa3: {  	[sflag:s23] =	ssyncadd.s32 s7;
	_ =	sdelay $0x1  }
0xa4: {  	s24 =	simm.s32 $0x1B8B  }
0xa5: {  	_ =	swait.ge [sflag:s24], $0x1  }
0xa6: {  	[sflag:s24] =	ssyncset.done $0x0  }
0xa7: {  	s25 =	simm.s32 $0x1B8E;
	[sflag:s24] =	ssyncadd.s32 $0xFFFFFFFF  }
0xa8: {  	s26 =	simm.s32 $execute0_lowered;
	[smem:$0x3FD2] =	sst s25  }
0xa9: {  	s7 =	sshll.u32 s26, $0x1;
	_ =	strace $0x80000046;
	[dreg:$0x1] =	wrdreg $0xFFFFFFFF  }
0xaa: {  	s28 =	simm.s32 $_size_execute0_lowered;
	s6 =	sadd.s32 s6, s7;
	[dreg:$0x0] =	wrdreg $0x0  }
0xab: {  	s7 =	sshll.u32 s28, $0x1;
	[dreg:$0x2] =	wrdreg s6  }
0xac: {  	[dreg:$0x3] =	wrdreg s7  }
0xad: {  	[dreg:$0x4] =	wrdreg $0xC0  }
0xae: {  	_ =	task [dreg:s10], $0x5FFFF  }
0xaf: {  	[dreg:$0x1] =	wrdreg $0xFFFFFFFF  }
0xb0: {  	[dreg:$0x0] =	wrdreg $0x60  }
0xb1: {  	[dreg:$0x2] =	wrdreg s2  }
0xb2: {  	[dreg:$0x3] =	wrdreg s19  }
0xb3: {  	[dreg:$0x4] =	wrdreg s4  }
0xb4: {  	[dreg:$0x5] =	wrdreg s5  }
0xb5: {  	[dreg:$0x6] =	wrdreg $0x9  }
0xb6: {  	_ =	task.clear_ibuf [dreg:s10], $0x7FFFF;
	_ =	strace $0x90000046  }
0xb7: {  	s29 =	simm.s32 $0x9;
	_ =	strace $0x80000048  }
0xb8: {  	_ =	swait.ge [sflag:s29], $0x1  }
0xb9: {  	[sflag:s29] =	ssyncadd.s32 $0xFFFFFFFF  }
0xba: {  	_ =	strace $0x90000048  }
0xbb: {  	_ =	sfence  }
0xbc: {  	s30 =	sld [smem:$0x0];
	_ =	sdelay $0x2  }
0xbd: {  	s31 =	sshll.u32 s1, $0xD;
	s1 =	sshrl.u32 s1, $0x2  }
0xbe: {  	s3 =	sand.u32 $0x4000, s31;
	s1 =	sadd.s32 s1, s30  }
0xbf: {  	s0 =	sor.u32 s3, s0;
	s1 =	sshll.u32 s1, $0x11  }
0xc0: {  	s0 =	sor.u32 s1, s0  }
0xc1: {  	s0 =	sadd.s32 $0x8F2B, s0  }
0xc2: {  	[sflag:s0] =	ssyncadd.remote.s32 $0x1  }
0xc3: {  	_ =	sfence.sel $0xFFFF  }
0xc4: {  	[dreg:$0x0] =	wrdreg $0xFFFFFFFF;
	(pc) =	sbr.abs _section_cstart, $3  }
0xc5: {  	[dreg:$0x1] =	wrdreg $0xFFFFFFFF  }
0xc6: {  	_ =	task.clear_ibuf [dreg:s10], $0x2FFFF;
	_ =	strace $0x9FFFFFFF  }
0xc7: {  	(tm) =	ssettm $0x7FFFFFFF  }
tec
execute0_lowered:
.L_overlay_start_1:
0x0: {  	(tag) =	ssettag $0x1  }
0x1: {  	s0 =	rddreg [dreg:$0x0]  }
0x2: {  	s1 =	rddreg [dreg:$0x1];
	s2 =	srdreg.scid  }
0x3: {  	s3 =	rddreg [dreg:$0x2];
	s4 =	stileid.u32  }
0x4: {  	s24 =	rddreg [dreg:$0x3];
	s2 =	sand.u32 $0x1, s2;
	s5 =	sshll.u32 s4, $0x7  }
0x5: {  	s4 =	simm.s32 $0x0;
	s11 =	sadd.s32 $0x100, s1;
	s6 =	sshll.u32 s2, $0x6  }
0x6: {  	[smem:$0x7FF] =	sst s4;
	s2 =	ssub.s32 $0x2, s2;
	s5 =	sor.u32 s6, s5  }
0x7: {  	_ =	strace $0x80000047;
	s8 =	sshrl.u32 s2, $0x1;
	s7 =	sshll.u32 s5, $0x2  }
0x8: {  	s2 =	ssub.s32 s2, s8;
	[dreg:$0x5] =	wrdreg s5;
	s25 =	sshrl.u32 s5, $0x3  }
0x9: {  	s9 =	sand.u32 $0x1E00, s7;
	s8 =	smul.u32 $0x300, s25;
	s31 =	smax.u32 s2, $0x1  }
0xa: {  	s22 =	sor.u32 s6, s9;
	s6 =	sor.u32 s6, s7;
	[dreg:$0xb] =	wrdreg s31  }
0xb: {  	s23 =	sshrl.u32 s22, $0x3;
	s6 =	sshrl.u32 s6, $0x3;
	s30 =	sadd.s32 s3, s8  }
.Ltmp0:
0xc: {  	s26 =	sadd.s32 s0, s23;
	[dreg:$0xa] =	wrdreg s30;
	(pc) =	sbr.rel .LBB2_1-.Ltmp0, $4  }
0xd: {  	s28 =	sor.u32 $0x20, s6;
	[dreg:$0x6] =	wrdreg s26;
	s5 =	sadd.s32 $0x10, s26  }
0xe: {  	v2 =	vlaneseq.u32;
	s6 =	sor.u32 $0x30, s6;
	s29 =	sadd.s32 s0, s28;
	[dreg:$0x7] =	wrdreg s5  }
0xf: {  	vm0 =	vmmov $0xffff;
	s12 =	sadd.s32 $0x200, s1;
	v1 =	vshrl.u32 v2, $0x3;
	s0 =	sadd.s32 s0, s6;
	[dreg:$0x8] =	wrdreg s29  }
0x10: {  	v0 =	vand.u32 $0x7, v2;
	v2 =	vor.u32 $0x8, v2;
	v1 =	vmul.u32 $0x8, v1;
	s25 =	simm.s32 $0x12200;
	s3 =	simm.s32 $0x0;
	[dreg:$0x9] =	wrdreg s0  }
.LBB2_20:
0x11: {  	s0 =	simm.s32 $0x8  }
0x12: {  	_ =	swait.ge [sflag:s0], $0x6000  }
0x13: {  	[sflag:s0] =	ssyncset.done $0x0  }
0x14: {  	s30 =	simm.s32 $0x6;
	[sflag:s0] =	ssyncadd.s32 $0xFFFFA000  }
0x15: {  	_ =	swait.ge [sflag:s30], $0x6000  }
0x16: {  	[sflag:s30] =	ssyncset.done $0x0  }
0x17: {  	s2 =	simm.s32 $0x7;
	[sflag:s30] =	ssyncadd.s32 $0xFFFFA000  }
0x18: {  	_ =	swait.ge [sflag:s2], $0x6000  }
0x19: {  	s3 =	rddreg [dreg:$0xc]  }
0x1a: {  	s31 =	rddreg [dreg:$0xb];
	s3 =	sadd.s32 $0x1, s3  }
0x1b: {  	p0 =	sne.s32 s3, s31  }
.Ltmp1:
0x1c: {  	_ = 	snop;
	(pc) =	sbr.rel @!p0 .LBB2_21-.Ltmp1, $3  }
0x1d: {  	_ =	sdelay $0x1  }
0x1e: {  	[sflag:s2] =	ssyncset.done $0x0  }
0x1f: {  	[sflag:s2] =	ssyncadd.s32 $0xFFFFA000  }
.LBB2_1:
0x20: {  	[dreg:$0xc] =	wrdreg s3  }
0x21: {  	s0 =	rddreg [dreg:$0x6]  }
0x22: {  	[tilespmem:s4], [sflag:$0x1] =	stream.linear.gather [hbm4b:s0+s4], $0x40, $0x38;
	[tilespmem:$0x1E200] =	vst v63  }
0x23: {  	s22 =	rddreg [dreg:$0x7];
	s2 =	simm.s32 $0x80  }
0x24: {  	[tilespmem:s2], [sflag:$0x1] =	stream.linear.gather [hbm4b:s22+s4], $0x40, $0x38;
	[tilespmem:$0x1E200] =	vst v63  }
0x25: {  	s23 =	rddreg [dreg:$0x8];
	s26 =	simm.s32 $0x100  }
0x26: {  	[tilespmem:s26], [sflag:$0x1] =	stream.linear.gather [hbm4b:s23+s4], $0x40, $0x38;
	[tilespmem:$0x1E200] =	vst v63  }
0x27: {  	s28 =	rddreg [dreg:$0x9];
	s29 =	simm.s32 $0x180  }
0x28: {  	[tilespmem:s29], [sflag:$0x1] =	stream.linear.gather [hbm4b:s28+s4], $0x40, $0x38;
	[tilespmem:$0x1E200] =	vst v63  }
0x29: {  	s30 =	rddreg [dreg:$0xa];
	s31 =	simm.s32 $0x200;
	s2 =	simm.s32 $0x1  }
0x2a: {  	[tilespmem:s31], [sflag:$0x2] =	stream.linear.gather [hbm4b:s30+s4], $0xC000, $0x38;
	[tilespmem:$0x1E200] =	vst v63  }
0x2b: {  	_ =	swait.ge [sflag:s2], $0x40  }
0x2c: {  	[sflag:s2] =	ssyncset.done $0x0  }
0x2d: {  	[sflag:s2] =	ssyncadd.s32 $0xFFFFFFC0  }
0x2e: {  	_ =	swait.ge [sflag:s2], $0x40  }
0x2f: {  	[sflag:s2] =	ssyncset.done $0x0  }
0x30: {  	[sflag:s2] =	ssyncadd.s32 $0xFFFFFFC0  }
0x31: {  	_ =	swait.ge [sflag:s2], $0x40  }
0x32: {  	[sflag:s2] =	ssyncset.done $0x0  }
0x33: {  	[sflag:s2] =	ssyncadd.s32 $0xFFFFFFC0  }
0x34: {  	_ =	swait.ge [sflag:s2], $0x40  }
0x35: {  	[sflag:s2] =	ssyncset.done $0x0  }
0x36: {  	[sflag:s2] =	ssyncadd.s32 $0xFFFFFFC0  }
0x37: {  	v3 =	vld [tilespmem:$0x0];
	_ =	sdelay $0x4  }
0x38: {  	v4 =	vshrl.u32 v3, $0x3  }
0x39: {  	v4 =	vmul.u32 $0x30, v4  }
0x3a: {  	v3 =	vand.u32 $0x7, v3  }
0x3b: {  	v3 =	vor.u32 v3, v4  }
0x3c: {  	v4 =	vperm.xlane v3, v0;
	_ =	sdelay $0x1  }
0x3d: {  	v4 =	vadd.s32 v1, v4;
	_ =	sdelay $0x3  }
0x3e: {  	s3 =	simm.s32 $0xC200;
	v3 =	vperm.xlane v3, v2  }
0x3f: {  	[tilespmem:s3], [sflag:$0x3] =	stream.indirect_vreg.gather [hbm4b:s1+s4], $0x80, v4, vm0, $0xb8;
	[tilespmem:$0x1E200] =	vst v63  }
0x40: {  	s5 =	simm.s32 $0xCA00;
	v3 =	vadd.s32 v1, v3  }
0x41: {  	[tilespmem:s5], [sflag:$0x3] =	stream.indirect_vreg.gather [hbm4b:s11+s4], $0x80, v4, vm0, $0xb8;
	[tilespmem:$0x1E200] =	vst v63  }
0x42: {  	s6 =	simm.s32 $0xD200  }
0x43: {  	[tilespmem:s6], [sflag:$0x3] =	stream.indirect_vreg.gather [hbm4b:s12+s4], $0x80, v4, vm0, $0xb8;
	[tilespmem:$0x1E200] =	vst v63  }
0x44: {  	s7 =	simm.s32 $0xDA00  }
0x45: {  	[tilespmem:s7], [sflag:$0x3] =	stream.indirect_vreg.gather [hbm4b:s1+s4], $0x80, v3, vm0, $0xb8;
	[tilespmem:$0x1E200] =	vst v63  }
0x46: {  	s8 =	simm.s32 $0xE200  }
0x47: {  	[tilespmem:s8], [sflag:$0x3] =	stream.indirect_vreg.gather [hbm4b:s11+s4], $0x80, v3, vm0, $0xb8;
	[tilespmem:$0x1E200] =	vst v63  }
0x48: {  	s9 =	simm.s32 $0xEA00  }
0x49: {  	[tilespmem:s9], [sflag:$0x3] =	stream.indirect_vreg.gather [hbm4b:s12+s4], $0x80, v3, vm0, $0xb8;
	[tilespmem:$0x1E200] =	vst v63  }
0x4a: {  	v3 =	vld [tilespmem:$0x10];
	_ =	sdelay $0x4  }
0x4b: {  	v61 =	vshrl.u32 v3, $0x3  }
0x4c: {  	v4 =	vmul.u32 $0x30, v61  }
0x4d: {  	v3 =	vand.u32 $0x7, v3  }
0x4e: {  	v3 =	vor.u32 v3, v4  }
0x4f: {  	v4 =	vperm.xlane v3, v0;
	_ =	sdelay $0x1  }
0x50: {  	v4 =	vadd.s32 v1, v4;
	_ =	sdelay $0x3  }
0x51: {  	s10 =	simm.s32 $0xF200;
	v3 =	vperm.xlane v3, v2  }
0x52: {  	[tilespmem:s10], [sflag:$0x3] =	stream.indirect_vreg.gather [hbm4b:s1+s4], $0x80, v4, vm0, $0xb8;
	[tilespmem:$0x1E200] =	vst v63  }
0x53: {  	s13 =	simm.s32 $0xFA00;
	v3 =	vadd.s32 v1, v3  }
0x54: {  	[tilespmem:s13], [sflag:$0x3] =	stream.indirect_vreg.gather [hbm4b:s11+s4], $0x80, v4, vm0, $0xb8;
	[tilespmem:$0x1E200] =	vst v63  }
0x55: {  	s14 =	simm.s32 $0x10200  }
0x56: {  	[tilespmem:s14], [sflag:$0x3] =	stream.indirect_vreg.gather [hbm4b:s12+s4], $0x80, v4, vm0, $0xb8;
	[tilespmem:$0x1E200] =	vst v63  }
0x57: {  	s15 =	simm.s32 $0x10A00  }
0x58: {  	[tilespmem:s15], [sflag:$0x3] =	stream.indirect_vreg.gather [hbm4b:s1+s4], $0x80, v3, vm0, $0xb8;
	[tilespmem:$0x1E200] =	vst v63  }
0x59: {  	s16 =	simm.s32 $0x11200  }
0x5a: {  	[tilespmem:s16], [sflag:$0x3] =	stream.indirect_vreg.gather [hbm4b:s11+s4], $0x80, v3, vm0, $0xb8;
	[tilespmem:$0x1E200] =	vst v63  }
0x5b: {  	s17 =	simm.s32 $0x11A00  }
0x5c: {  	[tilespmem:s17], [sflag:$0x3] =	stream.indirect_vreg.gather [hbm4b:s12+s4], $0x80, v3, vm0, $0xb8;
	[tilespmem:$0x1E200] =	vst v63  }
0x5d: {  	v3 =	vld [tilespmem:$0x20];
	_ =	sdelay $0x4  }
0x5e: {  	v62 =	vshrl.u32 v3, $0x3  }
0x5f: {  	v4 =	vmul.u32 $0x30, v62  }
0x60: {  	v3 =	vand.u32 $0x7, v3  }
0x61: {  	v3 =	vor.u32 v3, v4  }
0x62: {  	v4 =	vperm.xlane v3, v0;
	_ =	sdelay $0x1  }
0x63: {  	v4 =	vadd.s32 v1, v4;
	_ =	sdelay $0x3  }
0x64: {  	v3 =	vperm.xlane v3, v2  }
0x65: {  	[tilespmem:s25], [sflag:$0x4] =	stream.indirect_vreg.gather [hbm4b:s1+s4], $0x80, v4, vm0, $0xb8;
	[tilespmem:$0x1E200] =	vst v63  }
0x66: {  	s18 =	simm.s32 $0x12A00;
	v3 =	vadd.s32 v1, v3  }
0x67: {  	[tilespmem:s18], [sflag:$0x4] =	stream.indirect_vreg.gather [hbm4b:s11+s4], $0x80, v4, vm0, $0xb8;
	[tilespmem:$0x1E200] =	vst v63  }
0x68: {  	s19 =	simm.s32 $0x13200  }
0x69: {  	[tilespmem:s19], [sflag:$0x4] =	stream.indirect_vreg.gather [hbm4b:s12+s4], $0x80, v4, vm0, $0xb8;
	[tilespmem:$0x1E200] =	vst v63  }
0x6a: {  	s20 =	simm.s32 $0x13A00  }
0x6b: {  	[tilespmem:s20], [sflag:$0x4] =	stream.indirect_vreg.gather [hbm4b:s1+s4], $0x80, v3, vm0, $0xb8;
	[tilespmem:$0x1E200] =	vst v63  }
0x6c: {  	s21 =	simm.s32 $0x14200  }
0x6d: {  	[tilespmem:s21], [sflag:$0x4] =	stream.indirect_vreg.gather [hbm4b:s11+s4], $0x80, v3, vm0, $0xb8;
	[tilespmem:$0x1E200] =	vst v63  }
0x6e: {  	s22 =	simm.s32 $0x14A00  }
0x6f: {  	[tilespmem:s22], [sflag:$0x4] =	stream.indirect_vreg.gather [hbm4b:s12+s4], $0x80, v3, vm0, $0xb8;
	[tilespmem:$0x1E200] =	vst v63  }
0x70: {  	v3 =	vld [tilespmem:$0x30];
	_ =	sdelay $0x4  }
0x71: {  	v63 =	vshrl.u32 v3, $0x3  }
0x72: {  	v4 =	vmul.u32 $0x30, v63  }
0x73: {  	v3 =	vand.u32 $0x7, v3  }
0x74: {  	v3 =	vor.u32 v3, v4  }
0x75: {  	v4 =	vperm.xlane v3, v0;
	_ =	sdelay $0x1  }
0x76: {  	v4 =	vadd.s32 v1, v4;
	_ =	sdelay $0x3  }
0x77: {  	s23 =	simm.s32 $0x15200;
	v3 =	vperm.xlane v3, v2  }
0x78: {  	[tilespmem:s23], [sflag:$0x4] =	stream.indirect_vreg.gather [hbm4b:s1+s4], $0x80, v4, vm0, $0xb8;
	[tilespmem:$0x1E200] =	vst v63  }
0x79: {  	s25 =	simm.s32 $0x15A00;
	v3 =	vadd.s32 v1, v3  }
0x7a: {  	[tilespmem:s25], [sflag:$0x4] =	stream.indirect_vreg.gather [hbm4b:s11+s4], $0x80, v4, vm0, $0xb8;
	[tilespmem:$0x1E200] =	vst v63  }
0x7b: {  	s26 =	simm.s32 $0x16200  }
0x7c: {  	[tilespmem:s26], [sflag:$0x4] =	stream.indirect_vreg.gather [hbm4b:s12+s4], $0x80, v4, vm0, $0xb8;
	[tilespmem:$0x1E200] =	vst v63  }
0x7d: {  	s28 =	simm.s32 $0x16A00  }
0x7e: {  	[tilespmem:s28], [sflag:$0x4] =	stream.indirect_vreg.gather [hbm4b:s1+s4], $0x80, v3, vm0, $0xb8;
	[tilespmem:$0x1E200] =	vst v63  }
0x7f: {  	s29 =	simm.s32 $0x17200  }
0x80: {  	[tilespmem:s29], [sflag:$0x4] =	stream.indirect_vreg.gather [hbm4b:s11+s4], $0x80, v3, vm0, $0xb8;
	[tilespmem:$0x1E200] =	vst v63  }
0x81: {  	s30 =	simm.s32 $0x17A00;
	s31 =	simm.s32 $0x2  }
0x82: {  	[tilespmem:s30], [sflag:$0x4] =	stream.indirect_vreg.gather [hbm4b:s12+s4], $0x80, v3, vm0, $0xb8;
	[tilespmem:$0x1E200] =	vst v63  }
0x83: {  	_ =	swait.ge [sflag:s31], $0xC000  }
0x84: {  	[sflag:s31] =	ssyncset.done $0x0  }
0x85: {  	s26 =	simm.s32 $0x0;
	[sflag:s31] =	ssyncadd.s32 $0xFFFF4000  }
.LBB2_2:
0x86: {  	s0 =	simm.s32 $0x3  }
0x87: {  	_ =	swait.ge [sflag:s0], $0x6000  }
0x88: {  	s31 =	sshll.u32 s26, $0x5;
	s14 =	simm.s32 $0x0;
	[sflag:s0] =	ssyncset.done $0x0  }
0x89: {  	s28 =	sand.u32 $0x20, s31;
	[sflag:s0] =	ssyncadd.s32 $0xFFFFA000;
	s0 =	simm.s32 $0x0  }
.LBB2_3:
0x8a: {  	s2 =	sor.u32 s28, s14  }
0x8b: {  	s2 =	sshrl.u32 s2, $0x3  }
0x8c: {  	s2 =	smul.u32 $0x6000, s2  }
0x8d: {  	s3 =	sshll.u32 s14, $0x7;
	s6 =	sshrl.u32 s14, $0x3  }
0x8e: {  	s3 =	sand.u32 $0x380, s3;
	s6 =	smul.u32 $0x6000, s6;
	s2 =	sshra.s32 s2, $0x2  }
0x8f: {  	s5 =	sand.u32 $0x40, s0;
	s7 =	sand.u32 $0x1C00, s0;
	s2 =	sor.u32 s3, s2  }
0x90: {  	s23 =	simm.s32 $0x200;
	s6 =	sshra.s32 s6, $0x2;
	s15 =	sadd.s32 $0x200, s2  }
0x91: {  	s9 =	sor.u32 $0x30, s5;
	s3 =	sor.u32 s3, s6;
	s8 =	sadd.s32 s7, s15  }
0x92: {  	s18 =	sor.u32 $0x10, s5;
	s16 =	sadd.s32 $0xC200, s3;
	s17 =	sadd.s32 s9, s8  }
0x93: {  	s21 =	sor.u32 $0x20, s5;
	s25 =	sadd.s32 s7, s16;
	s10 =	sadd.s32 s5, s8;
	v5 =	vld [tilespmem:s17+$0x0]  }
0x94: {  	s13 =	sadd.s32 s18, s8;
	v9 =	vld [tilespmem:s10+$0x0];
	s17 =	simm.s32 $0x40;
	s10 =	sand.u32 $0x1C00, s23  }
0x95: {  	s8 =	sadd.s32 s21, s8;
	v3 =	vld [tilespmem:s13+$0x0];
	s7 =	sand.u32 $0x40, s17;
	s19 =	sadd.s32 s10, s15  }
0x96: {  	v4 =	vld [tilespmem:s8+$0x0];
	s22 =	sor.u32 $0x30, s7;
	s20 =	sadd.s32 s7, s19  }
0x97: {  	s8 =	sor.u32 $0x10, s7;
	s31 =	sadd.s32 s22, s19;
	v6 =	vld [tilespmem:s20+$0x0]  }
0x98: {  	s29 =	sadd.s32 s8, s19;
	v8 =	vld [tilespmem:s31+$0x0]  }
0x99: {  	s6 =	simm.s32 $0x400;
	s30 =	sadd.s32 s9, s25;
	v7 =	vld [tilespmem:s29+$0x0]  }
0x9a: {  	s9 =	simm.s32 $0x4;
	s17 =	sor.u32 $0x20, s7;
	s31 =	sadd.s32 s5, s25;
	[tilespmem:s30+$0x0] =	vst.add.f32.msk $0xffff, v5  }
0x9b: {  	s13 =	simm.s32 $0x80;
	s10 =	sadd.s32 s10, s16;
	s30 =	sadd.s32 s17, s19;
	[tilespmem:s31+$0x0] =	vst.add.f32.msk $0xffff, v9  }
0x9c: {  	s20 =	sadd.s32 s21, s25;
	s2 =	sadd.s32 s22, s10;
	s19 =	sadd.s32 s18, s25;
	v5 =	vld [tilespmem:s30+$0x0]  }
.LBB2_4:
0x9d: {  	s22 =	sand.u32 $0x1C00, s6  }
0x9e: {  	s3 =	sand.u32 $0x40, s13;
	s9 =	sadd.s32 $0x4, s9;
	[tilespmem:s2+$0x0] =	vst.add.f32.msk $0xffff, v8;
	s2 =	sadd.s32 s22, s15  }
0x9f: {  	s29 =	sor.u32 $0x30, s3;
	p0 =	slt.u32 s9, $0x2C;
	[tilespmem:s19+$0x0] =	vst.add.f32.msk $0xffff, v3;
	v9 =	vmov v6;
	s30 =	sor.u32 $0x10, s3  }
0xa0: {  	s31 =	sor.u32 $0x20, s3;
	s19 =	sadd.s32 s29, s2;
	[tilespmem:s20+$0x0] =	vst.add.f32.msk $0xffff, v4;
	v3 =	vmov v7;
	s20 =	sadd.s32 s3, s2  }
.Ltmp2:
0xa1: {  	s18 =	sadd.s32 s30, s2;
	s2 =	sadd.s32 s31, s2;
	v8 =	vld [tilespmem:s19+$0x0];
	(pc) =	sbr.rel @p0 .LBB2_4-.Ltmp2, $4  }
0xa2: {  	s25 =	sadd.s32 s7, s10;
	s19 =	sadd.s32 s8, s10;
	v4 =	vmov v5;
	v6 =	vld [tilespmem:s20+$0x0];
	s20 =	sadd.s32 s17, s10  }
0xa3: {  	s7 =	smov.u32 s3;
	s8 =	smov.u32 s30;
	s17 =	smov.u32 s31;
	v7 =	vld [tilespmem:s18+$0x0]  }
0xa4: {  	s10 =	sadd.s32 s22, s16;
	v5 =	vld [tilespmem:s2+$0x0]  }
0xa5: {  	s6 =	sadd.s32 $0x200, s6;
	s13 =	sadd.s32 $0x40, s13;
	s2 =	sadd.s32 s29, s10;
	[tilespmem:s25+$0x0] =	vst.add.f32.msk $0xffff, v9  }
0xa6: {  	s14 =	sadd.s32 $0x1, s14  }
0xa7: {  	[tilespmem:s2+$0x0] =	vst.add.f32.msk $0xffff, v8;
	p0 =	sne.s32 s14, $0x20  }
.Ltmp3:
0xa8: {  	[tilespmem:s19+$0x0] =	vst.add.f32.msk $0xffff, v3;
	(pc) =	sbr.rel @p0 .LBB2_3-.Ltmp3, $4  }
0xa9: {  	[tilespmem:s20+$0x0] =	vst.add.f32.msk $0xffff, v4;
	s30 =	sadd.s32 s7, s10  }
0xaa: {  	s3 =	sadd.s32 s8, s10;
	[tilespmem:s30+$0x0] =	vst.add.f32.msk $0xffff, v6  }
0xab: {  	s31 =	sadd.s32 s17, s10;
	[tilespmem:s3+$0x0] =	vst.add.f32.msk $0xffff, v7  }
0xac: {  	[tilespmem:s31+$0x0] =	vst.add.f32.msk $0xffff, v5  }
0xad: {  	s31 =	smul.u32 $0x3, s26  }
0xae: {  	s2 =	rddreg [dreg:$0x5]  }
0xaf: {  	s2 =	sor.u32 s2, s28;
	s0 =	sshrl.u32 s31, $0x1  }
0xb0: {  	s2 =	sshrl.u32 s2, $0x3;
	s0 =	smul.u32 $0x180000, s0  }
0xb1: {  	p0 =	seq.s32 s26, $0x0;
	s2 =	smul.u32 $0x1800, s2  }
.Ltmp4:
0xb2: {  	_ = 	snop;
	(pc) =	sbr.rel @p0 .LBB2_9-.Ltmp4, $4  }
0xb3: {  	s0 =	sadd.s32 s0, s2  }
0xb4: {  	s30 =	simm.s32 $0xC200;
	s0 =	sshrl.u32 s0, $0x3  }
0xb5: {  	s3 =	sadd.s32 $0x2, s31;
	[dreg:$0xd] =	wrdreg s2;
	s0 =	sadd.s32 s24, s0  }
0xb6: {  	[hbm4b:s0+s4] =	stream.linear.scatter [tilespmem:s30], [sflag:$0x6], $0x6000, $0x38;
	[tilespmem:$0x1E200] =	vst v63  }
0xb7: {  	p0 =	seq.s32 s26, $0x2  }
.Ltmp5:
0xb8: {  	_ = 	snop;
	(pc) =	sbr.rel @p0 .LBB2_10-.Ltmp5, $1  }
0xb9: {  	_ =	sdelay $0x3  }
0xba: {  	s0 =	simm.s32 $0x8  }
0xbb: {  	_ =	swait.ge [sflag:s0], $0x6000  }
0xbc: {  	[sflag:s0] =	ssyncset.done $0x0  }
0xbd: {  	[sflag:s0] =	ssyncadd.s32 $0xFFFFA000  }
.LBB2_9:
0xbe: {  	s0 =	sshll.u32 s3, $0x6  }
0xbf: {  	s0 =	sand.u32 $0x780, s0  }
0xc0: {  	s0 =	sor.u32 s28, s0  }
0xc1: {  	v3 =	vld [tilespmem:s0+$0x0];
	_ =	sdelay $0x4  }
0xc2: {  	v4 =	vshrl.u32 v3, $0x3  }
0xc3: {  	v4 =	vmul.u32 $0x30, v4  }
0xc4: {  	v3 =	vand.u32 $0x7, v3  }
0xc5: {  	v3 =	vor.u32 v3, v4  }
0xc6: {  	v4 =	vperm.xlane v3, v0;
	_ =	sdelay $0x1  }
0xc7: {  	v4 =	vadd.s32 v1, v4;
	_ =	sdelay $0x3  }
0xc8: {  	s2 =	simm.s32 $0x18200;
	v3 =	vperm.xlane v3, v2  }
0xc9: {  	[tilespmem:s2], [sflag:$0x5] =	stream.indirect_vreg.gather [hbm4b:s1+s4], $0x80, v4, vm0, $0xb8;
	[tilespmem:$0x1E200] =	vst v63  }
0xca: {  	s16 =	simm.s32 $0x18A00;
	v3 =	vadd.s32 v1, v3  }
0xcb: {  	[tilespmem:s16], [sflag:$0x5] =	stream.indirect_vreg.gather [hbm4b:s11+s4], $0x80, v4, vm0, $0xb8;
	[tilespmem:$0x1E200] =	vst v63  }
0xcc: {  	s17 =	simm.s32 $0x19200  }
0xcd: {  	[tilespmem:s17], [sflag:$0x5] =	stream.indirect_vreg.gather [hbm4b:s12+s4], $0x80, v4, vm0, $0xb8;
	[tilespmem:$0x1E200] =	vst v63  }
0xce: {  	s18 =	simm.s32 $0x19A00  }
0xcf: {  	[tilespmem:s18], [sflag:$0x5] =	stream.indirect_vreg.gather [hbm4b:s1+s4], $0x80, v3, vm0, $0xb8;
	[tilespmem:$0x1E200] =	vst v63  }
0xd0: {  	s19 =	simm.s32 $0x1A200  }
0xd1: {  	[tilespmem:s19], [sflag:$0x5] =	stream.indirect_vreg.gather [hbm4b:s11+s4], $0x80, v3, vm0, $0xb8;
	[tilespmem:$0x1E200] =	vst v63  }
0xd2: {  	s20 =	simm.s32 $0x1AA00  }
0xd3: {  	[tilespmem:s20], [sflag:$0x5] =	stream.indirect_vreg.gather [hbm4b:s12+s4], $0x80, v3, vm0, $0xb8;
	[tilespmem:$0x1E200] =	vst v63  }
0xd4: {  	v3 =	vld [tilespmem:s0+$0x10];
	_ =	sdelay $0x4  }
0xd5: {  	v63 =	vshrl.u32 v3, $0x3  }
0xd6: {  	v4 =	vmul.u32 $0x30, v63  }
0xd7: {  	v3 =	vand.u32 $0x7, v3  }
0xd8: {  	v3 =	vor.u32 v3, v4  }
0xd9: {  	v4 =	vperm.xlane v3, v0;
	_ =	sdelay $0x1  }
0xda: {  	v4 =	vadd.s32 v1, v4;
	_ =	sdelay $0x3  }
0xdb: {  	s21 =	simm.s32 $0x1B200;
	v3 =	vperm.xlane v3, v2  }
0xdc: {  	[tilespmem:s21], [sflag:$0x5] =	stream.indirect_vreg.gather [hbm4b:s1+s4], $0x80, v4, vm0, $0xb8;
	[tilespmem:$0x1E200] =	vst v63  }
0xdd: {  	s22 =	simm.s32 $0x1BA00;
	v3 =	vadd.s32 v1, v3  }
0xde: {  	[tilespmem:s22], [sflag:$0x5] =	stream.indirect_vreg.gather [hbm4b:s11+s4], $0x80, v4, vm0, $0xb8;
	[tilespmem:$0x1E200] =	vst v63  }
0xdf: {  	s23 =	simm.s32 $0x1C200  }
0xe0: {  	[tilespmem:s23], [sflag:$0x5] =	stream.indirect_vreg.gather [hbm4b:s12+s4], $0x80, v4, vm0, $0xb8;
	[tilespmem:$0x1E200] =	vst v63  }
0xe1: {  	s25 =	simm.s32 $0x1CA00  }
0xe2: {  	[tilespmem:s25], [sflag:$0x5] =	stream.indirect_vreg.gather [hbm4b:s1+s4], $0x80, v3, vm0, $0xb8;
	[tilespmem:$0x1E200] =	vst v63  }
0xe3: {  	s29 =	simm.s32 $0x1D200  }
0xe4: {  	[tilespmem:s29], [sflag:$0x5] =	stream.indirect_vreg.gather [hbm4b:s11+s4], $0x80, v3, vm0, $0xb8;
	[tilespmem:$0x1E200] =	vst v63  }
0xe5: {  	s30 =	simm.s32 $0x1DA00  }
0xe6: {  	[tilespmem:s30], [sflag:$0x5] =	stream.indirect_vreg.gather [hbm4b:s12+s4], $0x80, v3, vm0, $0xb8;
	[tilespmem:$0x1E200] =	vst v63  }
.LBB2_10:
0xe7: {  	[dreg:$0xe] =	wrdreg s3;
	s29 =	smov.u32 s1;
	s2 =	simm.s32 $0x4  }
0xe8: {  	s1 =	smov.u32 s24;
	s0 =	sadd.s32 $0x1, s31;
	_ =	swait.ge [sflag:s2], $0x6000  }
0xe9: {  	s15 =	simm.s32 $0x0;
	s30 =	sshll.u32 s0, $0x5;
	[sflag:s2] =	ssyncset.done $0x0  }
0xea: {  	s16 =	simm.s32 $0x0;
	s14 =	sand.u32 $0x20, s30;
	[sflag:s2] =	ssyncadd.s32 $0xFFFFA000  }
.LBB2_11:
0xeb: {  	s2 =	sor.u32 s14, s16  }
0xec: {  	s2 =	sshrl.u32 s2, $0x3  }
0xed: {  	s2 =	smul.u32 $0x6000, s2  }
0xee: {  	s3 =	sshll.u32 s16, $0x7;
	s6 =	sshrl.u32 s16, $0x3  }
0xef: {  	s8 =	sand.u32 $0x1C00, s15;
	s3 =	sand.u32 $0x380, s3;
	s2 =	sshra.s32 s2, $0x2  }
0xf0: {  	s30 =	simm.s32 $0x200;
	s6 =	smul.u32 $0x6000, s6;
	s2 =	sor.u32 s3, s2  }
0xf1: {  	s19 =	simm.s32 $0x40;
	s17 =	sadd.s32 $0x200, s2;
	s2 =	sand.u32 $0x40, s15  }
0xf2: {  	s6 =	sshra.s32 s6, $0x2;
	s9 =	sadd.s32 s8, s17;
	s10 =	sor.u32 $0x30, s2  }
0xf3: {  	s20 =	sand.u32 $0x1C00, s30;
	s3 =	sor.u32 s3, s6;
	s25 =	sadd.s32 s10, s9  }
0xf4: {  	s7 =	sadd.s32 $0x12200, s3;
	s3 =	sor.u32 $0x10, s2;
	s13 =	sadd.s32 s2, s9;
	v5 =	vld [tilespmem:s25+$0x0]  }
0xf5: {  	s6 =	sor.u32 $0x20, s2;
	s5 =	sadd.s32 s8, s7;
	s18 =	sadd.s32 s3, s9;
	v9 =	vld [tilespmem:s13+$0x0]  }
0xf6: {  	s8 =	sand.u32 $0x40, s19;
	s24 =	sadd.s32 s20, s17;
	s9 =	sadd.s32 s6, s9;
	v3 =	vld [tilespmem:s18+$0x0]  }
0xf7: {  	s22 =	sor.u32 $0x30, s8;
	s30 =	sadd.s32 s8, s24;
	v4 =	vld [tilespmem:s9+$0x0]  }
0xf8: {  	s25 =	sadd.s32 s22, s24;
	s9 =	sor.u32 $0x10, s8;
	v6 =	vld [tilespmem:s30+$0x0]  }
0xf9: {  	v8 =	vld [tilespmem:s25+$0x0];
	s25 =	sadd.s32 s9, s24  }
0xfa: {  	s23 =	sadd.s32 s10, s5;
	s10 =	sor.u32 $0x20, s8;
	v7 =	vld [tilespmem:s25+$0x0]  }
0xfb: {  	s19 =	sadd.s32 s6, s5;
	s6 =	sadd.s32 s20, s7;
	s21 =	sadd.s32 s10, s24;
	[tilespmem:s23+$0x0] =	vst.add.f32.msk $0xffff, v5  }
0xfc: {  	s20 =	simm.s32 $0x80;
	s13 =	simm.s32 $0x4;
	s23 =	sadd.s32 s2, s5;
	v5 =	vld [tilespmem:s21+$0x0]  }
0xfd: {  	s2 =	sadd.s32 s3, s5;
	s3 =	sadd.s32 s22, s6;
	s22 =	simm.s32 $0x400;
	[tilespmem:s23+$0x0] =	vst.add.f32.msk $0xffff, v9  }
.LBB2_12:
0xfe: {  	s21 =	sand.u32 $0x1C00, s22  }
0xff: {  	s18 =	sand.u32 $0x40, s20;
	s13 =	sadd.s32 $0x4, s13;
	[tilespmem:s3+$0x0] =	vst.add.f32.msk $0xffff, v8;
	s3 =	sadd.s32 s21, s17  }
0x100: {  	s23 =	sor.u32 $0x30, s18;
	p0 =	slt.u32 s13, $0x2C;
	[tilespmem:s2+$0x0] =	vst.add.f32.msk $0xffff, v3;
	v9 =	vmov v6;
	s25 =	sor.u32 $0x10, s18  }
0x101: {  	s24 =	sor.u32 $0x20, s18;
	s2 =	sadd.s32 s23, s3;
	[tilespmem:s19+$0x0] =	vst.add.f32.msk $0xffff, v4;
	v3 =	vmov v7;
	s19 =	sadd.s32 s18, s3  }
.Ltmp6:
0x102: {  	s5 =	sadd.s32 s25, s3;
	s3 =	sadd.s32 s24, s3;
	v8 =	vld [tilespmem:s2+$0x0];
	(pc) =	sbr.rel @p0 .LBB2_12-.Ltmp6, $4  }
0x103: {  	s30 =	sadd.s32 s8, s6;
	s2 =	sadd.s32 s9, s6;
	v4 =	vmov v5;
	v6 =	vld [tilespmem:s19+$0x0];
	s19 =	sadd.s32 s10, s6  }
0x104: {  	s8 =	smov.u32 s18;
	s9 =	smov.u32 s25;
	s10 =	smov.u32 s24;
	v7 =	vld [tilespmem:s5+$0x0]  }
0x105: {  	s6 =	sadd.s32 s21, s7;
	v5 =	vld [tilespmem:s3+$0x0]  }
0x106: {  	s22 =	sadd.s32 $0x200, s22;
	s20 =	sadd.s32 $0x40, s20;
	s3 =	sadd.s32 s23, s6;
	[tilespmem:s30+$0x0] =	vst.add.f32.msk $0xffff, v9  }
0x107: {  	s16 =	sadd.s32 $0x1, s16  }
0x108: {  	[tilespmem:s3+$0x0] =	vst.add.f32.msk $0xffff, v8;
	p0 =	sne.s32 s16, $0x20  }
.Ltmp7:
0x109: {  	[tilespmem:s2+$0x0] =	vst.add.f32.msk $0xffff, v3;
	(pc) =	sbr.rel @p0 .LBB2_11-.Ltmp7, $4  }
0x10a: {  	[tilespmem:s19+$0x0] =	vst.add.f32.msk $0xffff, v4;
	s24 =	sadd.s32 s8, s6  }
0x10b: {  	s25 =	sadd.s32 s9, s6;
	[tilespmem:s24+$0x0] =	vst.add.f32.msk $0xffff, v6  }
0x10c: {  	s30 =	sadd.s32 s10, s6;
	[tilespmem:s25+$0x0] =	vst.add.f32.msk $0xffff, v7  }
0x10d: {  	[tilespmem:s30+$0x0] =	vst.add.f32.msk $0xffff, v5  }
0x10e: {  	s2 =	rddreg [dreg:$0x5]  }
0x10f: {  	s0 =	sshrl.u32 s0, $0x1;
	s2 =	sor.u32 s2, s14  }
0x110: {  	s0 =	smul.u32 $0x180000, s0;
	s2 =	sshrl.u32 s2, $0x3  }
0x111: {  	p0 =	seq.s32 s26, $0x2;
	s2 =	smul.u32 $0x1800, s2  }
.Ltmp8:
0x112: {  	_ = 	snop;
	(pc) =	sbr.rel @p0 .LBB2_20-.Ltmp8, $4  }
0x113: {  	s0 =	sadd.s32 s0, s2  }
0x114: {  	s24 =	smov.u32 s1;
	s0 =	sshrl.u32 s0, $0x3  }
0x115: {  	s25 =	simm.s32 $0x12200;
	s0 =	sadd.s32 s1, s0;
	s1 =	smov.u32 s29  }
0x116: {  	[hbm4b:s0+s4] =	stream.linear.scatter [tilespmem:s25], [sflag:$0x7], $0x6000, $0x38;
	[tilespmem:$0x1E200] =	vst v63  }
0x117: {  	s0 =	sadd.s32 $0x3, s31;
	s3 =	simm.s32 $0x6  }
0x118: {  	_ =	swait.ge [sflag:s3], $0x6000;
	s2 =	sshll.u32 s0, $0x5;
	s0 =	sshll.u32 s0, $0x6  }
0x119: {  	[sflag:s3] =	ssyncset.done $0x0;
	s2 =	sand.u32 $0x20, s2;
	s0 =	sand.u32 $0x780, s0  }
0x11a: {  	[sflag:s3] =	ssyncadd.s32 $0xFFFFA000;
	s0 =	sor.u32 s2, s0  }
0x11b: {  	v3 =	vld [tilespmem:s0+$0x0];
	_ =	sdelay $0x4  }
0x11c: {  	v4 =	vshrl.u32 v3, $0x3  }
0x11d: {  	v4 =	vmul.u32 $0x30, v4  }
0x11e: {  	v3 =	vand.u32 $0x7, v3  }
0x11f: {  	v3 =	vor.u32 v3, v4  }
0x120: {  	v4 =	vperm.xlane v3, v0;
	_ =	sdelay $0x1  }
0x121: {  	v4 =	vadd.s32 v1, v4;
	_ =	sdelay $0x3  }
0x122: {  	s31 =	simm.s32 $0x0;
	s13 =	simm.s32 $0xC200;
	v3 =	vperm.xlane v3, v2  }
0x123: {  	[tilespmem:s13], [sflag:$0x3] =	stream.indirect_vreg.gather [hbm4b:s1+s31], $0x80, v4, vm0, $0xb8;
	[tilespmem:$0x1E200] =	vst v63  }
0x124: {  	s14 =	simm.s32 $0xCA00;
	v3 =	vadd.s32 v1, v3  }
0x125: {  	[tilespmem:s14], [sflag:$0x3] =	stream.indirect_vreg.gather [hbm4b:s11+s31], $0x80, v4, vm0, $0xb8;
	[tilespmem:$0x1E200] =	vst v63  }
0x126: {  	s15 =	simm.s32 $0xD200  }
0x127: {  	[tilespmem:s15], [sflag:$0x3] =	stream.indirect_vreg.gather [hbm4b:s12+s31], $0x80, v4, vm0, $0xb8;
	[tilespmem:$0x1E200] =	vst v63  }
0x128: {  	s16 =	simm.s32 $0xDA00  }
0x129: {  	[tilespmem:s16], [sflag:$0x3] =	stream.indirect_vreg.gather [hbm4b:s1+s31], $0x80, v3, vm0, $0xb8;
	[tilespmem:$0x1E200] =	vst v63  }
0x12a: {  	s17 =	simm.s32 $0xE200  }
0x12b: {  	[tilespmem:s17], [sflag:$0x3] =	stream.indirect_vreg.gather [hbm4b:s11+s31], $0x80, v3, vm0, $0xb8;
	[tilespmem:$0x1E200] =	vst v63  }
0x12c: {  	s18 =	simm.s32 $0xEA00  }
0x12d: {  	[tilespmem:s18], [sflag:$0x3] =	stream.indirect_vreg.gather [hbm4b:s12+s31], $0x80, v3, vm0, $0xb8;
	[tilespmem:$0x1E200] =	vst v63  }
0x12e: {  	v3 =	vld [tilespmem:s0+$0x10];
	_ =	sdelay $0x4  }
0x12f: {  	v63 =	vshrl.u32 v3, $0x3  }
0x130: {  	v4 =	vmul.u32 $0x30, v63  }
0x131: {  	v3 =	vand.u32 $0x7, v3  }
0x132: {  	v3 =	vor.u32 v3, v4  }
0x133: {  	v4 =	vperm.xlane v3, v0;
	_ =	sdelay $0x1  }
0x134: {  	v4 =	vadd.s32 v1, v4;
	_ =	sdelay $0x3  }
0x135: {  	s19 =	simm.s32 $0xF200;
	v3 =	vperm.xlane v3, v2  }
0x136: {  	[tilespmem:s19], [sflag:$0x3] =	stream.indirect_vreg.gather [hbm4b:s1+s31], $0x80, v4, vm0, $0xb8;
	[tilespmem:$0x1E200] =	vst v63  }
0x137: {  	s20 =	simm.s32 $0xFA00;
	v3 =	vadd.s32 v1, v3  }
0x138: {  	[tilespmem:s20], [sflag:$0x3] =	stream.indirect_vreg.gather [hbm4b:s11+s31], $0x80, v4, vm0, $0xb8;
	[tilespmem:$0x1E200] =	vst v63  }
0x139: {  	s21 =	simm.s32 $0x10200  }
0x13a: {  	[tilespmem:s21], [sflag:$0x3] =	stream.indirect_vreg.gather [hbm4b:s12+s31], $0x80, v4, vm0, $0xb8;
	[tilespmem:$0x1E200] =	vst v63  }
0x13b: {  	s22 =	simm.s32 $0x10A00  }
0x13c: {  	[tilespmem:s22], [sflag:$0x3] =	stream.indirect_vreg.gather [hbm4b:s1+s31], $0x80, v3, vm0, $0xb8;
	[tilespmem:$0x1E200] =	vst v63  }
0x13d: {  	s23 =	simm.s32 $0x11200  }
0x13e: {  	[tilespmem:s23], [sflag:$0x3] =	stream.indirect_vreg.gather [hbm4b:s11+s31], $0x80, v3, vm0, $0xb8;
	[tilespmem:$0x1E200] =	vst v63  }
0x13f: {  	s29 =	simm.s32 $0x11A00;
	s30 =	simm.s32 $0x5  }
0x140: {  	[tilespmem:s29], [sflag:$0x3] =	stream.indirect_vreg.gather [hbm4b:s12+s31], $0x80, v3, vm0, $0xb8;
	[tilespmem:$0x1E200] =	vst v63  }
0x141: {  	_ =	swait.ge [sflag:s30], $0x6000  }
0x142: {  	[sflag:s30] =	ssyncset.done $0x0  }
0x143: {  	s0 =	simm.s32 $0x0;
	[sflag:s30] =	ssyncadd.s32 $0xFFFFA000  }
.LBB2_16:
0x144: {  	s2 =	sor.u32 s28, s0  }
0x145: {  	s2 =	sshrl.u32 s2, $0x3  }
0x146: {  	s2 =	smul.u32 $0x6000, s2  }
0x147: {  	s3 =	sshll.u32 s0, $0x7  }
0x148: {  	s5 =	sshrl.u32 s0, $0x3;
	s3 =	sand.u32 $0x380, s3;
	s2 =	sshra.s32 s2, $0x2  }
0x149: {  	s6 =	sand.u32 $0x1C00, s31;
	s5 =	smul.u32 $0x6000, s5;
	s2 =	sor.u32 s3, s2  }
0x14a: {  	s21 =	simm.s32 $0x200;
	s14 =	sadd.s32 $0x200, s2;
	s2 =	sand.u32 $0x40, s31  }
0x14b: {  	s5 =	sshra.s32 s5, $0x2;
	s8 =	sadd.s32 s6, s14;
	s9 =	sor.u32 $0x30, s2  }
0x14c: {  	s22 =	simm.s32 $0x40;
	s3 =	sor.u32 s3, s5;
	s19 =	sadd.s32 s9, s8  }
0x14d: {  	s7 =	sadd.s32 $0x18200, s3;
	s3 =	sor.u32 $0x10, s2;
	s10 =	sadd.s32 s2, s8;
	v5 =	vld [tilespmem:s19+$0x0]  }
0x14e: {  	s16 =	sand.u32 $0x1C00, s21;
	s20 =	sor.u32 $0x20, s2;
	s13 =	sadd.s32 s3, s8;
	v9 =	vld [tilespmem:s10+$0x0]  }
0x14f: {  	s23 =	sadd.s32 s16, s14;
	s15 =	sadd.s32 s20, s8;
	s8 =	sand.u32 $0x40, s22;
	v3 =	vld [tilespmem:s13+$0x0]  }
0x150: {  	v4 =	vld [tilespmem:s15+$0x0];
	s18 =	sor.u32 $0x30, s8;
	s30 =	sadd.s32 s8, s23  }
0x151: {  	s6 =	sadd.s32 s6, s7;
	s29 =	sadd.s32 s18, s23;
	v6 =	vld [tilespmem:s30+$0x0]  }
0x152: {  	s9 =	sadd.s32 s9, s6;
	s10 =	sor.u32 $0x20, s8;
	v8 =	vld [tilespmem:s29+$0x0]  }
0x153: {  	s15 =	sadd.s32 s10, s23;
	[tilespmem:s9+$0x0] =	vst.add.f32.msk $0xffff, v5;
	s9 =	sor.u32 $0x10, s8  }
0x154: {  	s13 =	simm.s32 $0x4;
	s19 =	sadd.s32 s2, s6;
	v5 =	vld [tilespmem:s15+$0x0];
	s17 =	sadd.s32 s9, s23  }
0x155: {  	s2 =	sadd.s32 s3, s6;
	v7 =	vld [tilespmem:s17+$0x0];
	s17 =	sadd.s32 s20, s6;
	s6 =	sadd.s32 s16, s7  }
0x156: {  	s15 =	simm.s32 $0x400;
	[tilespmem:s19+$0x0] =	vst.add.f32.msk $0xffff, v9;
	s16 =	simm.s32 $0x80;
	s3 =	sadd.s32 s18, s6  }
.LBB2_17:
0x157: {  	s18 =	sand.u32 $0x1C00, s15  }
0x158: {  	s5 =	sand.u32 $0x40, s16;
	s13 =	sadd.s32 $0x4, s13;
	[tilespmem:s3+$0x0] =	vst.add.f32.msk $0xffff, v8;
	s3 =	sadd.s32 s18, s14  }
0x159: {  	s19 =	sor.u32 $0x30, s5;
	p0 =	slt.u32 s13, $0x2C;
	[tilespmem:s2+$0x0] =	vst.add.f32.msk $0xffff, v3;
	v9 =	vmov v6;
	s20 =	sor.u32 $0x10, s5  }
0x15a: {  	s21 =	sor.u32 $0x20, s5;
	s2 =	sadd.s32 s19, s3;
	[tilespmem:s17+$0x0] =	vst.add.f32.msk $0xffff, v4;
	v3 =	vmov v7;
	s17 =	sadd.s32 s5, s3  }
.Ltmp9:
0x15b: {  	s22 =	sadd.s32 s20, s3;
	s3 =	sadd.s32 s21, s3;
	v8 =	vld [tilespmem:s2+$0x0];
	(pc) =	sbr.rel @p0 .LBB2_17-.Ltmp9, $4  }
0x15c: {  	s23 =	sadd.s32 s8, s6;
	s2 =	sadd.s32 s9, s6;
	v4 =	vmov v5;
	v6 =	vld [tilespmem:s17+$0x0];
	s17 =	sadd.s32 s10, s6  }
0x15d: {  	s8 =	smov.u32 s5;
	s9 =	smov.u32 s20;
	s10 =	smov.u32 s21;
	v7 =	vld [tilespmem:s22+$0x0]  }
0x15e: {  	s6 =	sadd.s32 s18, s7;
	v5 =	vld [tilespmem:s3+$0x0]  }
0x15f: {  	s15 =	sadd.s32 $0x200, s15;
	s16 =	sadd.s32 $0x40, s16;
	s3 =	sadd.s32 s19, s6;
	[tilespmem:s23+$0x0] =	vst.add.f32.msk $0xffff, v9  }
0x160: {  	s0 =	sadd.s32 $0x1, s0  }
0x161: {  	[tilespmem:s3+$0x0] =	vst.add.f32.msk $0xffff, v8;
	p0 =	sne.s32 s0, $0x20  }
.Ltmp10:
0x162: {  	[tilespmem:s2+$0x0] =	vst.add.f32.msk $0xffff, v3;
	(pc) =	sbr.rel @p0 .LBB2_16-.Ltmp10, $4  }
0x163: {  	[tilespmem:s17+$0x0] =	vst.add.f32.msk $0xffff, v4;
	s23 =	sadd.s32 s8, s6  }
0x164: {  	s29 =	sadd.s32 s9, s6;
	[tilespmem:s23+$0x0] =	vst.add.f32.msk $0xffff, v6  }
0x165: {  	s30 =	sadd.s32 s10, s6;
	[tilespmem:s29+$0x0] =	vst.add.f32.msk $0xffff, v7  }
0x166: {  	[tilespmem:s30+$0x0] =	vst.add.f32.msk $0xffff, v5  }
0x167: {  	s0 =	rddreg [dreg:$0xe]  }
0x168: {  	s0 =	sshrl.u32 s0, $0x1  }
0x169: {  	s0 =	smul.u32 $0x180000, s0  }
0x16a: {  	s2 =	rddreg [dreg:$0xd]  }
0x16b: {  	s14 =	smul.u32 $0x300, s26;
	s0 =	sadd.s32 s0, s2  }
0x16c: {  	s3 =	simm.s32 $0x18200;
	s0 =	sshrl.u32 s0, $0x3  }
0x16d: {  	s16 =	simm.s32 $0x7;
	s15 =	sadd.s32 $0x400, s14;
	s0 =	sadd.s32 s24, s0  }
0x16e: {  	[hbm4b:s0+s4] =	stream.linear.scatter [tilespmem:s3], [sflag:$0x8], $0x6000, $0x38;
	[tilespmem:$0x1E200] =	vst v63  }
0x16f: {  	s0 =	sand.u32 $0x1E00, s15;
	_ =	swait.ge [sflag:s16], $0x6000  }
0x170: {  	s0 =	sshrl.u32 s0, $0x2;
	[sflag:s16] =	ssyncset.done $0x0  }
0x171: {  	s0 =	sor.u32 s28, s0;
	[sflag:s16] =	ssyncadd.s32 $0xFFFFA000  }
0x172: {  	v3 =	vld [tilespmem:s0+$0x0];
	_ =	sdelay $0x4  }
0x173: {  	v4 =	vshrl.u32 v3, $0x3  }
0x174: {  	v4 =	vmul.u32 $0x30, v4  }
0x175: {  	v3 =	vand.u32 $0x7, v3  }
0x176: {  	v3 =	vor.u32 v3, v4  }
0x177: {  	v4 =	vperm.xlane v3, v0;
	_ =	sdelay $0x1  }
0x178: {  	v4 =	vadd.s32 v1, v4;
	_ =	sdelay $0x3  }
0x179: {  	v3 =	vperm.xlane v3, v2  }
0x17a: {  	[tilespmem:s25], [sflag:$0x4] =	stream.indirect_vreg.gather [hbm4b:s1+s4], $0x80, v4, vm0, $0xb8;
	[tilespmem:$0x1E200] =	vst v63  }
0x17b: {  	s17 =	simm.s32 $0x12A00;
	v3 =	vadd.s32 v1, v3  }
0x17c: {  	[tilespmem:s17], [sflag:$0x4] =	stream.indirect_vreg.gather [hbm4b:s11+s4], $0x80, v4, vm0, $0xb8;
	[tilespmem:$0x1E200] =	vst v63  }
0x17d: {  	s18 =	simm.s32 $0x13200  }
0x17e: {  	[tilespmem:s18], [sflag:$0x4] =	stream.indirect_vreg.gather [hbm4b:s12+s4], $0x80, v4, vm0, $0xb8;
	[tilespmem:$0x1E200] =	vst v63  }
0x17f: {  	s19 =	simm.s32 $0x13A00  }
0x180: {  	[tilespmem:s19], [sflag:$0x4] =	stream.indirect_vreg.gather [hbm4b:s1+s4], $0x80, v3, vm0, $0xb8;
	[tilespmem:$0x1E200] =	vst v63  }
0x181: {  	s20 =	simm.s32 $0x14200  }
0x182: {  	[tilespmem:s20], [sflag:$0x4] =	stream.indirect_vreg.gather [hbm4b:s11+s4], $0x80, v3, vm0, $0xb8;
	[tilespmem:$0x1E200] =	vst v63  }
0x183: {  	s21 =	simm.s32 $0x14A00  }
0x184: {  	[tilespmem:s21], [sflag:$0x4] =	stream.indirect_vreg.gather [hbm4b:s12+s4], $0x80, v3, vm0, $0xb8;
	[tilespmem:$0x1E200] =	vst v63  }
0x185: {  	v3 =	vld [tilespmem:s0+$0x10];
	_ =	sdelay $0x4  }
0x186: {  	v63 =	vshrl.u32 v3, $0x3  }
0x187: {  	v4 =	vmul.u32 $0x30, v63  }
0x188: {  	v3 =	vand.u32 $0x7, v3  }
0x189: {  	v3 =	vor.u32 v3, v4  }
0x18a: {  	v4 =	vperm.xlane v3, v0;
	_ =	sdelay $0x1  }
0x18b: {  	v4 =	vadd.s32 v1, v4;
	_ =	sdelay $0x3  }
0x18c: {  	s22 =	simm.s32 $0x15200;
	v3 =	vperm.xlane v3, v2  }
0x18d: {  	[tilespmem:s22], [sflag:$0x4] =	stream.indirect_vreg.gather [hbm4b:s1+s4], $0x80, v4, vm0, $0xb8;
	[tilespmem:$0x1E200] =	vst v63  }
0x18e: {  	s23 =	simm.s32 $0x15A00;
	v3 =	vadd.s32 v1, v3  }
0x18f: {  	[tilespmem:s23], [sflag:$0x4] =	stream.indirect_vreg.gather [hbm4b:s11+s4], $0x80, v4, vm0, $0xb8;
	[tilespmem:$0x1E200] =	vst v63  }
0x190: {  	s26 =	sadd.s32 $0x1, s26;
	s28 =	simm.s32 $0x16200  }
0x191: {  	[tilespmem:s28], [sflag:$0x4] =	stream.indirect_vreg.gather [hbm4b:s12+s4], $0x80, v4, vm0, $0xb8;
	[tilespmem:$0x1E200] =	vst v63  }
0x192: {  	s29 =	simm.s32 $0x16A00;
	p0 =	sne.s32 s26, $0x3  }
0x193: {  	[tilespmem:s29], [sflag:$0x4] =	stream.indirect_vreg.gather [hbm4b:s1+s4], $0x80, v3, vm0, $0xb8;
	[tilespmem:$0x1E200] =	vst v63  }
.Ltmp11:
0x194: {  	_ = 	snop;
	(pc) =	sbr.rel @p0 .LBB2_2-.Ltmp11, $4  }
.Ltmp12:
0x195: {  	s30 =	simm.s32 $0x17200;
	(pc) =	sbr.rel @!p0 .LBB2_20-.Ltmp12, $4  }
0x196: {  	[tilespmem:s30], [sflag:$0x4] =	stream.indirect_vreg.gather [hbm4b:s11+s4], $0x80, v3, vm0, $0xb8;
	[tilespmem:$0x1E200] =	vst v63  }
0x197: {  	s31 =	simm.s32 $0x17A00  }
0x198: {  	[tilespmem:s31], [sflag:$0x4] =	stream.indirect_vreg.gather [hbm4b:s12+s4], $0x80, v3, vm0, $0xb8;
	[tilespmem:$0x1E200] =	vst v63  }
0x199: {  	_ = 	snop  }
.LBB2_21:
0x19a: {  	_ =	sfence.sel $0x180000  }
0x19b: {  	[bflag:$0x0] =	sbarrier.arrive $0xFFFF  }
0x19c: {  	_ =	strace $0x90000047  }
0x19d: {  	s0 =	stileid.u32;
	[bflag:$0x2] =	sbarrier.arrive $0xFFFF  }
0x19e: {  	p0 =	sne.s32 s0, $0x0;
	s0 =	rddreg [dreg:$0x4]  }
0x19f: {  	s0 =	sadd.s32 @!p0 $0x100000, s0  }
0x1a0: {  	[sflag:s0] =	ssyncadd.tile.s32 @!p0 $0x1;
	_ =	shalt  }
.Lfunc_end2:
_tile_overlayer_lowered:
.L_overlay_start_2:
0x1a1: {  	(tag) =	ssettag $0x2  }
0x1a2: {  	s0 =	rddreg [dreg:$0x0];
	s2 =	stileid.u32  }
0x1a3: {  	s1 =	rddreg [dreg:$0x1];
	p0 =	sne.s32 s2, $0x0  }
0x1a4: {  	s3 =	rddreg [dreg:$0x2];
	[bflag:$0x3] =	sbarrier.arrive $0xFFFF;
	s2 =	simm.s32 @!p0 $0x1C09  }
0x1a5: {  	[timem:s3], [sflag:s2] =	dma.local @!p0 [hbm:s0], s1  }
0x1a6: {  	s0 =	simm.s32 @!p0 $0x9  }
0x1a7: {  	_ =	swait.ge @!p0 [sflag:s0], s1  }
0x1a8: {  	s1 =	ssub.s32 @!p0 $0x0, s1;
	[sflag:s0] =	ssyncset.done @!p0 $0x0  }
0x1a9: {  	[sflag:s0] =	ssyncadd.s32 @!p0 s1  }
0x1aa: {  	[bflag:$0x3] =	sbarrier.arrive $0xFFFF  }
0x1ab: {  	_ =	shalt  }

</sc_bundles>
